<compile_context>
chip_gen: v7x
topology: tpu7x:2x2x1
jax: 0.10.2.dev20260603
libtpu: 0.0.44.dev20260713+nightly
codegen_flags: <defaults>
</compile_context>

<pallas_src>
import functools

import jax
import jax.numpy as jnp
from jax import lax
from jax.experimental import pallas as pl
from jax.experimental.pallas import tpu as pltpu
from jax.experimental.pallas import tpu_sc as plsc

B, N_NODES, DIM, MAX_Z = 256, 64, 128, 100
NF = B * N_NODES
E = B * N_NODES * N_NODES

NW = 32
E_PER_W = E // NW
CHUNK = 8192
N_CHUNKS = E_PER_W // CHUNK
LANES = 16

_sc_mesh = plsc.VectorSubcoreMesh(core_axis_name="c", subcore_axis_name="s")


@functools.partial(
    pl.kernel,
    mesh=_sc_mesh,
    compiler_params=pltpu.CompilerParams(needs_layout_passes=False),
    out_type=jax.ShapeDtypeStruct((E,), jnp.float32),
    scratch_types=[
        pltpu.VMEM((NF,), jnp.float32),
        pltpu.VMEM((NF,), jnp.float32),
        pltpu.VMEM((NF,), jnp.float32),
        pltpu.VMEM((2, CHUNK), jnp.int32),
        pltpu.VMEM((2, CHUNK), jnp.int32),
        pltpu.VMEM((2, CHUNK), jnp.float32),
        pltpu.SemaphoreType.DMA,
        pltpu.SemaphoreType.DMA,
        pltpu.SemaphoreType.DMA,
        pltpu.SemaphoreType.DMA,
        pltpu.SemaphoreType.DMA,
    ],
)
def _dist_sc(x0_hbm, x1_hbm, x2_hbm, row_hbm, col_hbm, out_hbm,
             x0_v, x1_v, x2_v, row_v, col_v, out_v,
             sem_x, sem_in0, sem_in1, sem_out0, sem_out1):
    wid = lax.axis_index("s") * 2 + lax.axis_index("c")
    base = wid * E_PER_W
    sems_in = (sem_in0, sem_in1)
    sems_out = (sem_out0, sem_out1)

    hx = [pltpu.async_copy(s, d, sem_x)
          for s, d in ((x0_hbm, x0_v), (x1_hbm, x1_v), (x2_hbm, x2_v))]

    def issue_in(ci):
        b = ci % 2
        off = base + ci * CHUNK
        return (
            pltpu.async_copy(row_hbm.at[pl.ds(off, CHUNK)], row_v.at[b],
                             sems_in[b]),
            pltpu.async_copy(col_hbm.at[pl.ds(off, CHUNK)], col_v.at[b],
                             sems_in[b]),
        )

    in_h = {0: issue_in(0), 1: issue_in(1)}
    for h in hx:
        h.wait()

    out_h = {}
    for ci in range(N_CHUNKS):
        b = ci % 2
        for h in in_h.pop(ci):
            h.wait()
        if ci >= 2:
            out_h.pop(ci - 2).wait()

        @plsc.parallel_loop(0, CHUNK // LANES, 1, unroll=8)
        def _body(i):
            r = row_v[b, pl.ds(i * LANES, LANES)]
            c = col_v[b, pl.ds(i * LANES, LANES)]
            dx = plsc.load_gather(x0_v, [r]) - plsc.load_gather(x0_v, [c])
            dy = plsc.load_gather(x1_v, [r]) - plsc.load_gather(x1_v, [c])
            dz = plsc.load_gather(x2_v, [r]) - plsc.load_gather(x2_v, [c])
            out_v[b, pl.ds(i * LANES, LANES)] = dx * dx + dy * dy + dz * dz

        out_h[ci] = pltpu.async_copy(
            out_v.at[b], out_hbm.at[pl.ds(base + ci * CHUNK, CHUNK)],
            sems_out[b])
        if ci + 2 < N_CHUNKS:
            in_h[ci + 2] = issue_in(ci + 2)
    for h in out_h.values():
        h.wait()


ROWS = 1024
GRID = NF // ROWS


def _param_body(cat_ref, ch_ref, nm_ref, emb_ref, w_ref, b_ref, out_ref):
    cat = cat_ref[...]
    z = lax.broadcasted_iota(jnp.int32, (1, DIM), 1).astype(jnp.float32)
    onehot = (cat == z).astype(jnp.float32)
    h = jnp.dot(onehot, emb_ref[...], preferred_element_type=jnp.float32)
    lane = lax.broadcasted_iota(jnp.int32, (ROWS, DIM), 1)
    h = jnp.where(lane == 0, ch_ref[...], h)
    h = h * nm_ref[...]
    out_ref[...] = (
        jnp.dot(h, w_ref[...], preferred_element_type=jnp.float32) + b_ref[...]
    )


_param_tc = pl.pallas_call(
    _param_body,
    grid=(GRID,),
    in_specs=[
        pl.BlockSpec((ROWS, 1), lambda i: (i, 0)),
        pl.BlockSpec((ROWS, 1), lambda i: (i, 0)),
        pl.BlockSpec((ROWS, 1), lambda i: (i, 0)),
        pl.BlockSpec((DIM, DIM), lambda i: (0, 0)),
        pl.BlockSpec((DIM, 2 * DIM), lambda i: (0, 0)),
        pl.BlockSpec((1, 2 * DIM), lambda i: (0, 0)),
    ],
    out_specs=pl.BlockSpec((ROWS, 2 * DIM), lambda i: (i, 0)),
    out_shape=jax.ShapeDtypeStruct((NF, 2 * DIM), jnp.float32),
)


def kernel(x, categories, charges, edges, node_mask, edge_mask,
           emb_table, W_ml, b_ml):
    xf = x.reshape(NF, 3)
    x0 = xf[:, 0]
    x1 = xf[:, 1]
    x2 = xf[:, 2]
    row = edges[0]
    col = edges[1]
    distances = _dist_sc(x0, x1, x2, row, col).reshape(E, 1)

    catf = categories.astype(jnp.float32).reshape(NF, 1)
    ch = charges.reshape(NF, 1)
    nm = node_mask.reshape(NF, 1)
    emb_pad = jnp.zeros((DIM, DIM), jnp.float32).at[:MAX_Z, 1:DIM].set(emb_table)
    parameters = _param_tc(catf, ch, nm, emb_pad, W_ml, b_ml.reshape(1, 2 * DIM))

    em = edge_mask.reshape(E, 1)
    return parameters, distances, edges, nm, em

# --- scband reference (transcript-rebuilt; emitter-appended) ---
"""Pipeline reference for scband-encoder-20426864460432 (READ-ONLY COPY).

The authoritative reference and input builder live on the scoring server;
editing this copy changes nothing except your own understanding.
"""

import jax, jax.numpy as jnp
import numpy as np

B, N_NODES, DIM, MAX_Z = 256, 64, 128, 100
E = B * N_NODES * N_NODES


def setup_inputs(seed: int = 0) -> dict:
    key = jax.random.key(seed)
    k1, k2, k3, k4, k5, k6 = jax.random.split(key, 6)
    x = jax.random.normal(k1, (B, N_NODES, 3), dtype=jnp.float32)
    categories = jax.random.randint(k2, (B, N_NODES), 0, MAX_Z)
    charges = jax.random.normal(k3, (B, N_NODES, 1), dtype=jnp.float32)
    edges = jax.random.randint(k4, (2, E), 0, B * N_NODES)
    node_mask = jnp.ones((B, N_NODES, 1), dtype=jnp.float32)
    edge_mask = jnp.ones((E, 1), dtype=jnp.float32)
    # learned params: embedding table (padding_idx=0 -> row 0 zeroed), mean_logvar linear
    emb_table = jax.random.normal(k5, (MAX_Z, DIM - 1), dtype=jnp.float32) * 0.02
    emb_table = emb_table.at[0].set(0.0)
    W_ml = jax.random.normal(k6, (DIM, 2 * DIM), dtype=jnp.float32) * 0.05
    b_ml = jnp.zeros((2 * DIM,), dtype=jnp.float32)
    return {"x": x, "categories": categories, "charges": charges, "edges": edges,
            "node_mask": node_mask, "edge_mask": edge_mask,
            "emb_table": emb_table, "W_ml": W_ml, "b_ml": b_ml}


def coord2diff(x, edges, norm_constant=1):
    row, col = edges[0], edges[1]
    coord_diff = x[row] - x[col]
    radial = jnp.sum(coord_diff ** 2, axis=1, keepdims=True)
    norm = jnp.sqrt(radial + 1e-08)
    coord_diff = coord_diff / (norm + norm_constant)
    return radial, coord_diff


def reference(x, categories, charges, edges, node_mask, edge_mask, emb_table, W_ml, b_ml):
    # embedding lookup (gather)
    h = jnp.take(emb_table, categories, axis=0)          # [B, N, DIM-1]
    h = jnp.concatenate([charges, h], axis=2)            # [B, N, DIM]
    b, n_nodes, _ = h.shape
    xf = x.reshape(b * n_nodes, 3)
    nm = node_mask.reshape(b * n_nodes, 1)
    em = edge_mask.reshape(b * n_nodes * n_nodes, 1)
    h = h.reshape(b * n_nodes, -1) * nm
    # edge-wise gathers over E edges
    distances, _ = coord2diff(xf, edges)
    # manifold == 'Euclidean' -> no Hyperboloid zero column
    # encode(): abstract base; message_passing layers not defined -> identity encode
    output = h
    parameters = output @ W_ml + b_ml                    # [B*N, 2*DIM] (mean, logvar)
    return parameters, distances, edges, nm, em

if __name__ == "__main__":
    import jax
    _d = setup_inputs()
    print(jax.jit(kernel)(*tuple(_d.values())))

</pallas_src>

<mosaic_0001>
#map = affine_map<(d0, d1) -> (0)>
module attributes {stable_mosaic.version = 14 : i64} {
  func.func @_dist_sc(%arg0: i32, %arg1: i32, %arg2: memref<16384xf32, #tpu.memory_space<hbm>>, %arg3: memref<16384xf32, #tpu.memory_space<hbm>>, %arg4: memref<16384xf32, #tpu.memory_space<hbm>>, %arg5: memref<1048576xi32, #tpu.memory_space<hbm>>, %arg6: memref<1048576xi32, #tpu.memory_space<hbm>>, %arg7: memref<1048576xf32, #tpu.memory_space<hbm>>, %arg8: memref<16384xf32, #tpu.memory_space<vmem>>, %arg9: memref<16384xf32, #tpu.memory_space<vmem>>, %arg10: memref<16384xf32, #tpu.memory_space<vmem>>, %arg11: memref<2x8192xi32, #tpu.memory_space<vmem>>, %arg12: memref<2x8192xi32, #tpu.memory_space<vmem>>, %arg13: memref<2x8192xf32, #tpu.memory_space<vmem>>, %arg14: memref<!tpu.dma_semaphore, #tpu.memory_space<semaphore_mem>>, %arg15: memref<!tpu.dma_semaphore, #tpu.memory_space<semaphore_mem>>, %arg16: memref<!tpu.dma_semaphore, #tpu.memory_space<semaphore_mem>>, %arg17: memref<!tpu.dma_semaphore, #tpu.memory_space<semaphore_mem>>, %arg18: memref<!tpu.dma_semaphore, #tpu.memory_space<semaphore_mem>>) attributes {dimension_semantics = [#tpu.dimension_semantics<core_parallel>, #tpu.dimension_semantics<subcore_parallel>], iteration_bounds = array<i64: 2, 16>, scalar_prefetch = 0 : i64, scratch_operands = 11 : i64, tpu.core_type = #tpu.core_type<sc_vector_subcore>, window_params = [{transform_indices = #map}, {transform_indices = #map}, {transform_indices = #map}, {transform_indices = #map}, {transform_indices = #map}, {transform_indices = #map}]} {
    %mul3A = arith.constant 2 : i32
    %mul3A_0 = arith.muli %arg1, %mul3A : i32
    %add3A = arith.addi %mul3A_0, %arg0 : i32
    %mul3A_1 = arith.constant 32768 : i32
    %mul3A_2 = arith.muli %add3A, %mul3A_1 : i32
    tpu.enqueue_dma source(%arg2 : memref<16384xf32, #tpu.memory_space<hbm>>) target(%arg8 : memref<16384xf32, #tpu.memory_space<vmem>>) target_semaphore(%arg14 : memref<!tpu.dma_semaphore, #tpu.memory_space<semaphore_mem>>)
    tpu.enqueue_dma source(%arg3 : memref<16384xf32, #tpu.memory_space<hbm>>) target(%arg9 : memref<16384xf32, #tpu.memory_space<vmem>>) target_semaphore(%arg14 : memref<!tpu.dma_semaphore, #tpu.memory_space<semaphore_mem>>)
    tpu.enqueue_dma source(%arg4 : memref<16384xf32, #tpu.memory_space<hbm>>) target(%arg10 : memref<16384xf32, #tpu.memory_space<vmem>>) target_semaphore(%arg14 : memref<!tpu.dma_semaphore, #tpu.memory_space<semaphore_mem>>)
    %add3A_3 = arith.constant 0 : i32
    %add3A_4 = arith.addi %mul3A_2, %add3A_3 : i32
    %dma_start3A = arith.constant 0 : i32
    %dma_start3A_5 = arith.constant 0 : i32
    %dma_start3A_6 = tpu.memref_slice %arg11[%dma_start3A, %dma_start3A_5] : memref<2x8192xi32, #tpu.memory_space<vmem>> -> memref<1x8192xi32, #tpu.memory_space<vmem>>
    %dma_start3A_7 = tpu.memref_squeeze %dma_start3A_6 : memref<1x8192xi32, #tpu.memory_space<vmem>> -> memref<8192xi32, #tpu.memory_space<vmem>>
    %dma_start3A_8 = tpu.memref_slice %arg5[%add3A_4] : memref<1048576xi32, #tpu.memory_space<hbm>> -> memref<8192xi32, #tpu.memory_space<hbm>>
    %dma_start3A_9 = arith.constant 0 : i32
    %dma_start3A_10 = tpu.memref_slice %arg11[%dma_start3A, %dma_start3A_9] : memref<2x8192xi32, #tpu.memory_space<vmem>> -> memref<1x8192xi32, #tpu.memory_space<vmem>>
    %dma_start3A_11 = tpu.memref_squeeze %dma_start3A_10 : memref<1x8192xi32, #tpu.memory_space<vmem>> -> memref<8192xi32, #tpu.memory_space<vmem>>
    %dma_start3A_12 = tpu.memref_slice %arg5[%add3A_4] : memref<1048576xi32, #tpu.memory_space<hbm>> -> memref<8192xi32, #tpu.memory_space<hbm>>
    tpu.enqueue_dma source(%dma_start3A_12 : memref<8192xi32, #tpu.memory_space<hbm>>) target(%dma_start3A_11 : memref<8192xi32, #tpu.memory_space<vmem>>) target_semaphore(%arg15 : memref<!tpu.dma_semaphore, #tpu.memory_space<semaphore_mem>>)
    %dma_start3A_13 = arith.constant 0 : i32
    %dma_start3A_14 = arith.constant 0 : i32
    %dma_start3A_15 = tpu.memref_slice %arg12[%dma_start3A_13, %dma_start3A_14] : memref<2x8192xi32, #tpu.memory_space<vmem>> -> memref<1x8192xi32, #tpu.memory_space<vmem>>
    %dma_start3A_16 = tpu.memref_squeeze %dma_start3A_15 : memref<1x8192xi32, #tpu.memory_space<vmem>> -> memref<8192xi32, #tpu.memory_space<vmem>>
    %dma_start3A_17 = tpu.memref_slice %arg6[%add3A_4] : memref<1048576xi32, #tpu.memory_space<hbm>> -> memref<8192xi32, #tpu.memory_space<hbm>>
    %dma_start3A_18 = arith.constant 0 : i32
    %dma_start3A_19 = tpu.memref_slice %arg12[%dma_start3A_13, %dma_start3A_18] : memref<2x8192xi32, #tpu.memory_space<vmem>> -> memref<1x8192xi32, #tpu.memory_space<vmem>>
    %dma_start3A_20 = tpu.memref_squeeze %dma_start3A_19 : memref<1x8192xi32, #tpu.memory_space<vmem>> -> memref<8192xi32, #tpu.memory_space<vmem>>
    %dma_start3A_21 = tpu.memref_slice %arg6[%add3A_4] : memref<1048576xi32, #tpu.memory_space<hbm>> -> memref<8192xi32, #tpu.memory_space<hbm>>
    tpu.enqueue_dma source(%dma_start3A_21 : memref<8192xi32, #tpu.memory_space<hbm>>) target(%dma_start3A_20 : memref<8192xi32, #tpu.memory_space<vmem>>) target_semaphore(%arg15 : memref<!tpu.dma_semaphore, #tpu.memory_space<semaphore_mem>>)
    %add3A_22 = arith.constant 8192 : i32
    %add3A_23 = arith.addi %mul3A_2, %add3A_22 : i32
    %dma_start3A_24 = arith.constant 1 : i32
    %dma_start3A_25 = arith.constant 0 : i32
    %dma_start3A_26 = tpu.memref_slice %arg11[%dma_start3A_24, %dma_start3A_25] : memref<2x8192xi32, #tpu.memory_space<vmem>> -> memref<1x8192xi32, #tpu.memory_space<vmem>>
    %dma_start3A_27 = tpu.memref_squeeze %dma_start3A_26 : memref<1x8192xi32, #tpu.memory_space<vmem>> -> memref<8192xi32, #tpu.memory_space<vmem>>
    %dma_start3A_28 = tpu.memref_slice %arg5[%add3A_23] : memref<1048576xi32, #tpu.memory_space<hbm>> -> memref<8192xi32, #tpu.memory_space<hbm>>
    %dma_start3A_29 = arith.constant 0 : i32
    %dma_start3A_30 = tpu.memref_slice %arg11[%dma_start3A_24, %dma_start3A_29] : memref<2x8192xi32, #tpu.memory_space<vmem>> -> memref<1x8192xi32, #tpu.memory_space<vmem>>
    %dma_start3A_31 = tpu.memref_squeeze %dma_start3A_30 : memref<1x8192xi32, #tpu.memory_space<vmem>> -> memref<8192xi32, #tpu.memory_space<vmem>>
    %dma_start3A_32 = tpu.memref_slice %arg5[%add3A_23] : memref<1048576xi32, #tpu.memory_space<hbm>> -> memref<8192xi32, #tpu.memory_space<hbm>>
    tpu.enqueue_dma source(%dma_start3A_32 : memref<8192xi32, #tpu.memory_space<hbm>>) target(%dma_start3A_31 : memref<8192xi32, #tpu.memory_space<vmem>>) target_semaphore(%arg16 : memref<!tpu.dma_semaphore, #tpu.memory_space<semaphore_mem>>)
    %dma_start3A_33 = arith.constant 1 : i32
    %dma_start3A_34 = arith.constant 0 : i32
    %dma_start3A_35 = tpu.memref_slice %arg12[%dma_start3A_33, %dma_start3A_34] : memref<2x8192xi32, #tpu.memory_space<vmem>> -> memref<1x8192xi32, #tpu.memory_space<vmem>>
    %dma_start3A_36 = tpu.memref_squeeze %dma_start3A_35 : memref<1x8192xi32, #tpu.memory_space<vmem>> -> memref<8192xi32, #tpu.memory_space<vmem>>
    %dma_start3A_37 = tpu.memref_slice %arg6[%add3A_23] : memref<1048576xi32, #tpu.memory_space<hbm>> -> memref<8192xi32, #tpu.memory_space<hbm>>
    %dma_start3A_38 = arith.constant 0 : i32
    %dma_start3A_39 = tpu.memref_slice %arg12[%dma_start3A_33, %dma_start3A_38] : memref<2x8192xi32, #tpu.memory_space<vmem>> -> memref<1x8192xi32, #tpu.memory_space<vmem>>
    %dma_start3A_40 = tpu.memref_squeeze %dma_start3A_39 : memref<1x8192xi32, #tpu.memory_space<vmem>> -> memref<8192xi32, #tpu.memory_space<vmem>>
    %dma_start3A_41 = tpu.memref_slice %arg6[%add3A_23] : memref<1048576xi32, #tpu.memory_space<hbm>> -> memref<8192xi32, #tpu.memory_space<hbm>>
    tpu.enqueue_dma source(%dma_start3A_41 : memref<8192xi32, #tpu.memory_space<hbm>>) target(%dma_start3A_40 : memref<8192xi32, #tpu.memory_space<vmem>>) target_semaphore(%arg16 : memref<!tpu.dma_semaphore, #tpu.memory_space<semaphore_mem>>)
    tpu.wait_dma2 semaphore(%arg14 : memref<!tpu.dma_semaphore, #tpu.memory_space<semaphore_mem>>) src(%arg2 : memref<16384xf32, #tpu.memory_space<hbm>>) dst(%arg8 : memref<16384xf32, #tpu.memory_space<vmem>>)
    tpu.wait_dma2 semaphore(%arg14 : memref<!tpu.dma_semaphore, #tpu.memory_space<semaphore_mem>>) src(%arg3 : memref<16384xf32, #tpu.memory_space<hbm>>) dst(%arg9 : memref<16384xf32, #tpu.memory_space<vmem>>)
    tpu.wait_dma2 semaphore(%arg14 : memref<!tpu.dma_semaphore, #tpu.memory_space<semaphore_mem>>) src(%arg4 : memref<16384xf32, #tpu.memory_space<hbm>>) dst(%arg10 : memref<16384xf32, #tpu.memory_space<vmem>>)
    %dma_wait3A = arith.constant 0 : i32
    %dma_wait3A_42 = arith.constant 0 : i32
    %dma_wait3A_43 = tpu.memref_slice %arg11[%dma_wait3A, %dma_wait3A_42] : memref<2x8192xi32, #tpu.memory_space<vmem>> -> memref<1x8192xi32, #tpu.memory_space<vmem>>
    %dma_wait3A_44 = tpu.memref_squeeze %dma_wait3A_43 : memref<1x8192xi32, #tpu.memory_space<vmem>> -> memref<8192xi32, #tpu.memory_space<vmem>>
    %dma_wait3A_45 = tpu.memref_slice %arg5[%add3A_4] : memref<1048576xi32, #tpu.memory_space<hbm>> -> memref<8192xi32, #tpu.memory_space<hbm>>
    %dma_wait3A_46 = arith.constant 0 : i32
    %dma_wait3A_47 = tpu.memref_slice %arg11[%dma_wait3A, %dma_wait3A_46] : memref<2x8192xi32, #tpu.memory_space<vmem>> -> memref<1x8192xi32, #tpu.memory_space<vmem>>
    %dma_wait3A_48 = tpu.memref_squeeze %dma_wait3A_47 : memref<1x8192xi32, #tpu.memory_space<vmem>> -> memref<8192xi32, #tpu.memory_space<vmem>>
    %dma_wait3A_49 = tpu.memref_slice %arg5[%add3A_4] : memref<1048576xi32, #tpu.memory_space<hbm>> -> memref<8192xi32, #tpu.memory_space<hbm>>
    tpu.wait_dma2 semaphore(%arg15 : memref<!tpu.dma_semaphore, #tpu.memory_space<semaphore_mem>>) src(%dma_wait3A_49 : memref<8192xi32, #tpu.memory_space<hbm>>) dst(%dma_wait3A_48 : memref<8192xi32, #tpu.memory_space<vmem>>)
    %dma_wait3A_50 = arith.constant 0 : i32
    %dma_wait3A_51 = arith.constant 0 : i32
    %dma_wait3A_52 = tpu.memref_slice %arg12[%dma_wait3A_50, %dma_wait3A_51] : memref<2x8192xi32, #tpu.memory_space<vmem>> -> memref<1x8192xi32, #tpu.memory_space<vmem>>
    %dma_wait3A_53 = tpu.memref_squeeze %dma_wait3A_52 : memref<1x8192xi32, #tpu.memory_space<vmem>> -> memref<8192xi32, #tpu.memory_space<vmem>>
    %dma_wait3A_54 = tpu.memref_slice %arg6[%add3A_4] : memref<1048576xi32, #tpu.memory_space<hbm>> -> memref<8192xi32, #tpu.memory_space<hbm>>
    %dma_wait3A_55 = arith.constant 0 : i32
    %dma_wait3A_56 = tpu.memref_slice %arg12[%dma_wait3A_50, %dma_wait3A_55] : memref<2x8192xi32, #tpu.memory_space<vmem>> -> memref<1x8192xi32, #tpu.memory_space<vmem>>
    %dma_wait3A_57 = tpu.memref_squeeze %dma_wait3A_56 : memref<1x8192xi32, #tpu.memory_space<vmem>> -> memref<8192xi32, #tpu.memory_space<vmem>>
    %dma_wait3A_58 = tpu.memref_slice %arg6[%add3A_4] : memref<1048576xi32, #tpu.memory_space<hbm>> -> memref<8192xi32, #tpu.memory_space<hbm>>
    tpu.wait_dma2 semaphore(%arg15 : memref<!tpu.dma_semaphore, #tpu.memory_space<semaphore_mem>>) src(%dma_wait3A_58 : memref<8192xi32, #tpu.memory_space<hbm>>) dst(%dma_wait3A_57 : memref<8192xi32, #tpu.memory_space<vmem>>)
    %parallel_loop3A = arith.constant 0 : i32
    %parallel_loop3A_59 = arith.constant 512 : i32
    %parallel_loop3A_60 = arith.constant 1 : i32
    scf.for %parallel_loop3A_244 = %parallel_loop3A to %parallel_loop3A_59 step %parallel_loop3A_60  : i32 {
      %parallel_loop3A_245 = arith.constant 16 : i32
      %parallel_loop3A_246 = arith.muli %parallel_loop3A_244, %parallel_loop3A_245 : i32
      %parallel_loop3A_247 = arith.constant 0 : i32
      %parallel_loop3A_248 = arith.index_cast %parallel_loop3A_247 : i32 to index
      %parallel_loop3A_249 = arith.index_cast %parallel_loop3A_246 : i32 to index
      %parallel_loop3A_250 = tpu.vector_load %arg11[%parallel_loop3A_248, %parallel_loop3A_249] {strides = array<i32>} : memref<2x8192xi32, #tpu.memory_space<vmem>>, vector<16xi32>,
      %parallel_loop3A_251 = arith.constant 16 : i32
      %parallel_loop3A_252 = arith.muli %parallel_loop3A_244, %parallel_loop3A_251 : i32
      %parallel_loop3A_253 = arith.constant 0 : i32
      %parallel_loop3A_254 = arith.index_cast %parallel_loop3A_253 : i32 to index
      %parallel_loop3A_255 = arith.index_cast %parallel_loop3A_252 : i32 to index
      %parallel_loop3A_256 = tpu.vector_load %arg12[%parallel_loop3A_254, %parallel_loop3A_255] {strides = array<i32>} : memref<2x8192xi32, #tpu.memory_space<vmem>>, vector<16xi32>,
      %parallel_loop3A_257 = tpu.vector_load_idx %arg8[%parallel_loop3A_250] : memref<16384xf32, #tpu.memory_space<vmem>>[vector<16xi32>], vector<16xf32>,
      %parallel_loop3A_258 = tpu.vector_load_idx %arg8[%parallel_loop3A_256] : memref<16384xf32, #tpu.memory_space<vmem>>[vector<16xi32>], vector<16xf32>,
      %parallel_loop3A_259 = arith.subf %parallel_loop3A_257, %parallel_loop3A_258 : vector<16xf32>
      %parallel_loop3A_260 = tpu.vector_load_idx %arg9[%parallel_loop3A_250] : memref<16384xf32, #tpu.memory_space<vmem>>[vector<16xi32>], vector<16xf32>,
      %parallel_loop3A_261 = tpu.vector_load_idx %arg9[%parallel_loop3A_256] : memref<16384xf32, #tpu.memory_space<vmem>>[vector<16xi32>], vector<16xf32>,
      %parallel_loop3A_262 = arith.subf %parallel_loop3A_260, %parallel_loop3A_261 : vector<16xf32>
      %parallel_loop3A_263 = tpu.vector_load_idx %arg10[%parallel_loop3A_250] : memref<16384xf32, #tpu.memory_space<vmem>>[vector<16xi32>], vector<16xf32>,
      %parallel_loop3A_264 = tpu.vector_load_idx %arg10[%parallel_loop3A_256] : memref<16384xf32, #tpu.memory_space<vmem>>[vector<16xi32>], vector<16xf32>,
      %parallel_loop3A_265 = arith.subf %parallel_loop3A_263, %parallel_loop3A_264 : vector<16xf32>
      %parallel_loop3A_266 = arith.mulf %parallel_loop3A_259, %parallel_loop3A_259 : vector<16xf32>
      %parallel_loop3A_267 = arith.mulf %parallel_loop3A_262, %parallel_loop3A_262 : vector<16xf32>
      %parallel_loop3A_268 = arith.addf %parallel_loop3A_266, %parallel_loop3A_267 : vector<16xf32>
      %parallel_loop3A_269 = arith.mulf %parallel_loop3A_265, %parallel_loop3A_265 : vector<16xf32>
      %parallel_loop3A_270 = arith.addf %parallel_loop3A_268, %parallel_loop3A_269 : vector<16xf32>
      %parallel_loop3A_271 = arith.constant 16 : i32
      %parallel_loop3A_272 = arith.muli %parallel_loop3A_244, %parallel_loop3A_271 : i32
      %parallel_loop3A_273 = arith.constant 0 : i32
      %parallel_loop3A_274 = arith.index_cast %parallel_loop3A_273 : i32 to index
      %parallel_loop3A_275 = arith.index_cast %parallel_loop3A_272 : i32 to index
      %parallel_loop3A_276 = tpu.vector_load %arg13[%parallel_loop3A_274, %parallel_loop3A_275] {strides = array<i32>} : memref<2x8192xf32, #tpu.memory_space<vmem>>, vector<16xf32>,
      tpu.vector_store %arg13[%parallel_loop3A_274, %parallel_loop3A_275], %parallel_loop3A_270 {strides = array<i32>} : memref<2x8192xf32, #tpu.memory_space<vmem>>, vector<16xf32>,
    } {sc.loop_unroll_factor = 8 : i64, sc.parallel_access}
    %add3A_61 = arith.constant 0 : i32
    %add3A_62 = arith.addi %mul3A_2, %add3A_61 : i32
    %dma_start3A_63 = arith.constant 0 : i32
    %dma_start3A_64 = arith.constant 0 : i32
    %dma_start3A_65 = tpu.memref_slice %arg13[%dma_start3A_63, %dma_start3A_64] : memref<2x8192xf32, #tpu.memory_space<vmem>> -> memref<1x8192xf32, #tpu.memory_space<vmem>>
    %dma_start3A_66 = tpu.memref_squeeze %dma_start3A_65 : memref<1x8192xf32, #tpu.memory_space<vmem>> -> memref<8192xf32, #tpu.memory_space<vmem>>
    %dma_start3A_67 = tpu.memref_slice %arg7[%add3A_62] : memref<1048576xf32, #tpu.memory_space<hbm>> -> memref<8192xf32, #tpu.memory_space<hbm>>
    %dma_start3A_68 = tpu.memref_slice %arg7[%add3A_62] : memref<1048576xf32, #tpu.memory_space<hbm>> -> memref<8192xf32, #tpu.memory_space<hbm>>
    %dma_start3A_69 = arith.constant 0 : i32
    %dma_start3A_70 = tpu.memref_slice %arg13[%dma_start3A_63, %dma_start3A_69] : memref<2x8192xf32, #tpu.memory_space<vmem>> -> memref<1x8192xf32, #tpu.memory_space<vmem>>
    %dma_start3A_71 = tpu.memref_squeeze %dma_start3A_70 : memref<1x8192xf32, #tpu.memory_space<vmem>> -> memref<8192xf32, #tpu.memory_space<vmem>>
    tpu.enqueue_dma source(%dma_start3A_71 : memref<8192xf32, #tpu.memory_space<vmem>>) target(%dma_start3A_68 : memref<8192xf32, #tpu.memory_space<hbm>>) target_semaphore(%arg17 : memref<!tpu.dma_semaphore, #tpu.memory_space<semaphore_mem>>)
    %add3A_72 = arith.constant 16384 : i32
    %add3A_73 = arith.addi %mul3A_2, %add3A_72 : i32
    %dma_start3A_74 = arith.constant 0 : i32
    %dma_start3A_75 = arith.constant 0 : i32
    %dma_start3A_76 = tpu.memref_slice %arg11[%dma_start3A_74, %dma_start3A_75] : memref<2x8192xi32, #tpu.memory_space<vmem>> -> memref<1x8192xi32, #tpu.memory_space<vmem>>
    %dma_start3A_77 = tpu.memref_squeeze %dma_start3A_76 : memref<1x8192xi32, #tpu.memory_space<vmem>> -> memref<8192xi32, #tpu.memory_space<vmem>>
    %dma_start3A_78 = tpu.memref_slice %arg5[%add3A_73] : memref<1048576xi32, #tpu.memory_space<hbm>> -> memref<8192xi32, #tpu.memory_space<hbm>>
    %dma_start3A_79 = arith.constant 0 : i32
    %dma_start3A_80 = tpu.memref_slice %arg11[%dma_start3A_74, %dma_start3A_79] : memref<2x8192xi32, #tpu.memory_space<vmem>> -> memref<1x8192xi32, #tpu.memory_space<vmem>>
    %dma_start3A_81 = tpu.memref_squeeze %dma_start3A_80 : memref<1x8192xi32, #tpu.memory_space<vmem>> -> memref<8192xi32, #tpu.memory_space<vmem>>
    %dma_start3A_82 = tpu.memref_slice %arg5[%add3A_73] : memref<1048576xi32, #tpu.memory_space<hbm>> -> memref<8192xi32, #tpu.memory_space<hbm>>
    tpu.enqueue_dma source(%dma_start3A_82 : memref<8192xi32, #tpu.memory_space<hbm>>) target(%dma_start3A_81 : memref<8192xi32, #tpu.memory_space<vmem>>) target_semaphore(%arg15 : memref<!tpu.dma_semaphore, #tpu.memory_space<semaphore_mem>>)
    %dma_start3A_83 = arith.constant 0 : i32
    %dma_start3A_84 = arith.constant 0 : i32
    %dma_start3A_85 = tpu.memref_slice %arg12[%dma_start3A_83, %dma_start3A_84] : memref<2x8192xi32, #tpu.memory_space<vmem>> -> memref<1x8192xi32, #tpu.memory_space<vmem>>
    %dma_start3A_86 = tpu.memref_squeeze %dma_start3A_85 : memref<1x8192xi32, #tpu.memory_space<vmem>> -> memref<8192xi32, #tpu.memory_space<vmem>>
    %dma_start3A_87 = tpu.memref_slice %arg6[%add3A_73] : memref<1048576xi32, #tpu.memory_space<hbm>> -> memref<8192xi32, #tpu.memory_space<hbm>>
    %dma_start3A_88 = arith.constant 0 : i32
    %dma_start3A_89 = tpu.memref_slice %arg12[%dma_start3A_83, %dma_start3A_88] : memref<2x8192xi32, #tpu.memory_space<vmem>> -> memref<1x8192xi32, #tpu.memory_space<vmem>>
    %dma_start3A_90 = tpu.memref_squeeze %dma_start3A_89 : memref<1x8192xi32, #tpu.memory_space<vmem>> -> memref<8192xi32, #tpu.memory_space<vmem>>
    %dma_start3A_91 = tpu.memref_slice %arg6[%add3A_73] : memref<1048576xi32, #tpu.memory_space<hbm>> -> memref<8192xi32, #tpu.memory_space<hbm>>
    tpu.enqueue_dma source(%dma_start3A_91 : memref<8192xi32, #tpu.memory_space<hbm>>) target(%dma_start3A_90 : memref<8192xi32, #tpu.memory_space<vmem>>) target_semaphore(%arg15 : memref<!tpu.dma_semaphore, #tpu.memory_space<semaphore_mem>>)
    %dma_wait3A_92 = arith.constant 1 : i32
    %dma_wait3A_93 = arith.constant 0 : i32
    %dma_wait3A_94 = tpu.memref_slice %arg11[%dma_wait3A_92, %dma_wait3A_93] : memref<2x8192xi32, #tpu.memory_space<vmem>> -> memref<1x8192xi32, #tpu.memory_space<vmem>>
    %dma_wait3A_95 = tpu.memref_squeeze %dma_wait3A_94 : memref<1x8192xi32, #tpu.memory_space<vmem>> -> memref<8192xi32, #tpu.memory_space<vmem>>
    %dma_wait3A_96 = tpu.memref_slice %arg5[%add3A_23] : memref<1048576xi32, #tpu.memory_space<hbm>> -> memref<8192xi32, #tpu.memory_space<hbm>>
    %dma_wait3A_97 = arith.constant 0 : i32
    %dma_wait3A_98 = tpu.memref_slice %arg11[%dma_wait3A_92, %dma_wait3A_97] : memref<2x8192xi32, #tpu.memory_space<vmem>> -> memref<1x8192xi32, #tpu.memory_space<vmem>>
    %dma_wait3A_99 = tpu.memref_squeeze %dma_wait3A_98 : memref<1x8192xi32, #tpu.memory_space<vmem>> -> memref<8192xi32, #tpu.memory_space<vmem>>
    %dma_wait3A_100 = tpu.memref_slice %arg5[%add3A_23] : memref<1048576xi32, #tpu.memory_space<hbm>> -> memref<8192xi32, #tpu.memory_space<hbm>>
    tpu.wait_dma2 semaphore(%arg16 : memref<!tpu.dma_semaphore, #tpu.memory_space<semaphore_mem>>) src(%dma_wait3A_100 : memref<8192xi32, #tpu.memory_space<hbm>>) dst(%dma_wait3A_99 : memref<8192xi32, #tpu.memory_space<vmem>>)
    %dma_wait3A_101 = arith.constant 1 : i32
    %dma_wait3A_102 = arith.constant 0 : i32
    %dma_wait3A_103 = tpu.memref_slice %arg12[%dma_wait3A_101, %dma_wait3A_102] : memref<2x8192xi32, #tpu.memory_space<vmem>> -> memref<1x8192xi32, #tpu.memory_space<vmem>>
    %dma_wait3A_104 = tpu.memref_squeeze %dma_wait3A_103 : memref<1x8192xi32, #tpu.memory_space<vmem>> -> memref<8192xi32, #tpu.memory_space<vmem>>
    %dma_wait3A_105 = tpu.memref_slice %arg6[%add3A_23] : memref<1048576xi32, #tpu.memory_space<hbm>> -> memref<8192xi32, #tpu.memory_space<hbm>>
    %dma_wait3A_106 = arith.constant 0 : i32
    %dma_wait3A_107 = tpu.memref_slice %arg12[%dma_wait3A_101, %dma_wait3A_106] : memref<2x8192xi32, #tpu.memory_space<vmem>> -> memref<1x8192xi32, #tpu.memory_space<vmem>>
    %dma_wait3A_108 = tpu.memref_squeeze %dma_wait3A_107 : memref<1x8192xi32, #tpu.memory_space<vmem>> -> memref<8192xi32, #tpu.memory_space<vmem>>
    %dma_wait3A_109 = tpu.memref_slice %arg6[%add3A_23] : memref<1048576xi32, #tpu.memory_space<hbm>> -> memref<8192xi32, #tpu.memory_space<hbm>>
    tpu.wait_dma2 semaphore(%arg16 : memref<!tpu.dma_semaphore, #tpu.memory_space<semaphore_mem>>) src(%dma_wait3A_109 : memref<8192xi32, #tpu.memory_space<hbm>>) dst(%dma_wait3A_108 : memref<8192xi32, #tpu.memory_space<vmem>>)
    %parallel_loop3A_110 = arith.constant 0 : i32
    %parallel_loop3A_111 = arith.constant 512 : i32
    %parallel_loop3A_112 = arith.constant 1 : i32
    scf.for %parallel_loop3A_244 = %parallel_loop3A_110 to %parallel_loop3A_111 step %parallel_loop3A_112  : i32 {
      %parallel_loop3A_245 = arith.constant 16 : i32
      %parallel_loop3A_246 = arith.muli %parallel_loop3A_244, %parallel_loop3A_245 : i32
      %parallel_loop3A_247 = arith.constant 1 : i32
      %parallel_loop3A_248 = arith.index_cast %parallel_loop3A_247 : i32 to index
      %parallel_loop3A_249 = arith.index_cast %parallel_loop3A_246 : i32 to index
      %parallel_loop3A_250 = tpu.vector_load %arg11[%parallel_loop3A_248, %parallel_loop3A_249] {strides = array<i32>} : memref<2x8192xi32, #tpu.memory_space<vmem>>, vector<16xi32>,
      %parallel_loop3A_251 = arith.constant 16 : i32
      %parallel_loop3A_252 = arith.muli %parallel_loop3A_244, %parallel_loop3A_251 : i32
      %parallel_loop3A_253 = arith.constant 1 : i32
      %parallel_loop3A_254 = arith.index_cast %parallel_loop3A_253 : i32 to index
      %parallel_loop3A_255 = arith.index_cast %parallel_loop3A_252 : i32 to index
      %parallel_loop3A_256 = tpu.vector_load %arg12[%parallel_loop3A_254, %parallel_loop3A_255] {strides = array<i32>} : memref<2x8192xi32, #tpu.memory_space<vmem>>, vector<16xi32>,
      %parallel_loop3A_257 = tpu.vector_load_idx %arg8[%parallel_loop3A_250] : memref<16384xf32, #tpu.memory_space<vmem>>[vector<16xi32>], vector<16xf32>,
      %parallel_loop3A_258 = tpu.vector_load_idx %arg8[%parallel_loop3A_256] : memref<16384xf32, #tpu.memory_space<vmem>>[vector<16xi32>], vector<16xf32>,
      %parallel_loop3A_259 = arith.subf %parallel_loop3A_257, %parallel_loop3A_258 : vector<16xf32>
      %parallel_loop3A_260 = tpu.vector_load_idx %arg9[%parallel_loop3A_250] : memref<16384xf32, #tpu.memory_space<vmem>>[vector<16xi32>], vector<16xf32>,
      %parallel_loop3A_261 = tpu.vector_load_idx %arg9[%parallel_loop3A_256] : memref<16384xf32, #tpu.memory_space<vmem>>[vector<16xi32>], vector<16xf32>,
      %parallel_loop3A_262 = arith.subf %parallel_loop3A_260, %parallel_loop3A_261 : vector<16xf32>
      %parallel_loop3A_263 = tpu.vector_load_idx %arg10[%parallel_loop3A_250] : memref<16384xf32, #tpu.memory_space<vmem>>[vector<16xi32>], vector<16xf32>,
      %parallel_loop3A_264 = tpu.vector_load_idx %arg10[%parallel_loop3A_256] : memref<16384xf32, #tpu.memory_space<vmem>>[vector<16xi32>], vector<16xf32>,
      %parallel_loop3A_265 = arith.subf %parallel_loop3A_263, %parallel_loop3A_264 : vector<16xf32>
      %parallel_loop3A_266 = arith.mulf %parallel_loop3A_259, %parallel_loop3A_259 : vector<16xf32>
      %parallel_loop3A_267 = arith.mulf %parallel_loop3A_262, %parallel_loop3A_262 : vector<16xf32>
      %parallel_loop3A_268 = arith.addf %parallel_loop3A_266, %parallel_loop3A_267 : vector<16xf32>
      %parallel_loop3A_269 = arith.mulf %parallel_loop3A_265, %parallel_loop3A_265 : vector<16xf32>
      %parallel_loop3A_270 = arith.addf %parallel_loop3A_268, %parallel_loop3A_269 : vector<16xf32>
      %parallel_loop3A_271 = arith.constant 16 : i32
      %parallel_loop3A_272 = arith.muli %parallel_loop3A_244, %parallel_loop3A_271 : i32
      %parallel_loop3A_273 = arith.constant 1 : i32
      %parallel_loop3A_274 = arith.index_cast %parallel_loop3A_273 : i32 to index
      %parallel_loop3A_275 = arith.index_cast %parallel_loop3A_272 : i32 to index
      %parallel_loop3A_276 = tpu.vector_load %arg13[%parallel_loop3A_274, %parallel_loop3A_275] {strides = array<i32>} : memref<2x8192xf32, #tpu.memory_space<vmem>>, vector<16xf32>,
      tpu.vector_store %arg13[%parallel_loop3A_274, %parallel_loop3A_275], %parallel_loop3A_270 {strides = array<i32>} : memref<2x8192xf32, #tpu.memory_space<vmem>>, vector<16xf32>,
    } {sc.loop_unroll_factor = 8 : i64, sc.parallel_access}
    %add3A_113 = arith.constant 8192 : i32
    %add3A_114 = arith.addi %mul3A_2, %add3A_113 : i32
    %dma_start3A_115 = arith.constant 1 : i32
    %dma_start3A_116 = arith.constant 0 : i32
    %dma_start3A_117 = tpu.memref_slice %arg13[%dma_start3A_115, %dma_start3A_116] : memref<2x8192xf32, #tpu.memory_space<vmem>> -> memref<1x8192xf32, #tpu.memory_space<vmem>>
    %dma_start3A_118 = tpu.memref_squeeze %dma_start3A_117 : memref<1x8192xf32, #tpu.memory_space<vmem>> -> memref<8192xf32, #tpu.memory_space<vmem>>
    %dma_start3A_119 = tpu.memref_slice %arg7[%add3A_114] : memref<1048576xf32, #tpu.memory_space<hbm>> -> memref<8192xf32, #tpu.memory_space<hbm>>
    %dma_start3A_120 = tpu.memref_slice %arg7[%add3A_114] : memref<1048576xf32, #tpu.memory_space<hbm>> -> memref<8192xf32, #tpu.memory_space<hbm>>
    %dma_start3A_121 = arith.constant 0 : i32
    %dma_start3A_122 = tpu.memref_slice %arg13[%dma_start3A_115, %dma_start3A_121] : memref<2x8192xf32, #tpu.memory_space<vmem>> -> memref<1x8192xf32, #tpu.memory_space<vmem>>
    %dma_start3A_123 = tpu.memref_squeeze %dma_start3A_122 : memref<1x8192xf32, #tpu.memory_space<vmem>> -> memref<8192xf32, #tpu.memory_space<vmem>>
    tpu.enqueue_dma source(%dma_start3A_123 : memref<8192xf32, #tpu.memory_space<vmem>>) target(%dma_start3A_120 : memref<8192xf32, #tpu.memory_space<hbm>>) target_semaphore(%arg18 : memref<!tpu.dma_semaphore, #tpu.memory_space<semaphore_mem>>)
    %add3A_124 = arith.constant 24576 : i32
    %add3A_125 = arith.addi %mul3A_2, %add3A_124 : i32
    %dma_start3A_126 = arith.constant 1 : i32
    %dma_start3A_127 = arith.constant 0 : i32
    %dma_start3A_128 = tpu.memref_slice %arg11[%dma_start3A_126, %dma_start3A_127] : memref<2x8192xi32, #tpu.memory_space<vmem>> -> memref<1x8192xi32, #tpu.memory_space<vmem>>
    %dma_start3A_129 = tpu.memref_squeeze %dma_start3A_128 : memref<1x8192xi32, #tpu.memory_space<vmem>> -> memref<8192xi32, #tpu.memory_space<vmem>>
    %dma_start3A_130 = tpu.memref_slice %arg5[%add3A_125] : memref<1048576xi32, #tpu.memory_space<hbm>> -> memref<8192xi32, #tpu.memory_space<hbm>>
    %dma_start3A_131 = arith.constant 0 : i32
    %dma_start3A_132 = tpu.memref_slice %arg11[%dma_start3A_126, %dma_start3A_131] : memref<2x8192xi32, #tpu.memory_space<vmem>> -> memref<1x8192xi32, #tpu.memory_space<vmem>>
    %dma_start3A_133 = tpu.memref_squeeze %dma_start3A_132 : memref<1x8192xi32, #tpu.memory_space<vmem>> -> memref<8192xi32, #tpu.memory_space<vmem>>
    %dma_start3A_134 = tpu.memref_slice %arg5[%add3A_125] : memref<1048576xi32, #tpu.memory_space<hbm>> -> memref<8192xi32, #tpu.memory_space<hbm>>
    tpu.enqueue_dma source(%dma_start3A_134 : memref<8192xi32, #tpu.memory_space<hbm>>) target(%dma_start3A_133 : memref<8192xi32, #tpu.memory_space<vmem>>) target_semaphore(%arg16 : memref<!tpu.dma_semaphore, #tpu.memory_space<semaphore_mem>>)
    %dma_start3A_135 = arith.constant 1 : i32
    %dma_start3A_136 = arith.constant 0 : i32
    %dma_start3A_137 = tpu.memref_slice %arg12[%dma_start3A_135, %dma_start3A_136] : memref<2x8192xi32, #tpu.memory_space<vmem>> -> memref<1x8192xi32, #tpu.memory_space<vmem>>
    %dma_start3A_138 = tpu.memref_squeeze %dma_start3A_137 : memref<1x8192xi32, #tpu.memory_space<vmem>> -> memref<8192xi32, #tpu.memory_space<vmem>>
    %dma_start3A_139 = tpu.memref_slice %arg6[%add3A_125] : memref<1048576xi32, #tpu.memory_space<hbm>> -> memref<8192xi32, #tpu.memory_space<hbm>>
    %dma_start3A_140 = arith.constant 0 : i32
    %dma_start3A_141 = tpu.memref_slice %arg12[%dma_start3A_135, %dma_start3A_140] : memref<2x8192xi32, #tpu.memory_space<vmem>> -> memref<1x8192xi32, #tpu.memory_space<vmem>>
    %dma_start3A_142 = tpu.memref_squeeze %dma_start3A_141 : memref<1x8192xi32, #tpu.memory_space<vmem>> -> memref<8192xi32, #tpu.memory_space<vmem>>
    %dma_start3A_143 = tpu.memref_slice %arg6[%add3A_125] : memref<1048576xi32, #tpu.memory_space<hbm>> -> memref<8192xi32, #tpu.memory_space<hbm>>
    tpu.enqueue_dma source(%dma_start3A_143 : memref<8192xi32, #tpu.memory_space<hbm>>) target(%dma_start3A_142 : memref<8192xi32, #tpu.memory_space<vmem>>) target_semaphore(%arg16 : memref<!tpu.dma_semaphore, #tpu.memory_space<semaphore_mem>>)
    %dma_wait3A_144 = arith.constant 0 : i32
    %dma_wait3A_145 = arith.constant 0 : i32
    %dma_wait3A_146 = tpu.memref_slice %arg11[%dma_wait3A_144, %dma_wait3A_145] : memref<2x8192xi32, #tpu.memory_space<vmem>> -> memref<1x8192xi32, #tpu.memory_space<vmem>>
    %dma_wait3A_147 = tpu.memref_squeeze %dma_wait3A_146 : memref<1x8192xi32, #tpu.memory_space<vmem>> -> memref<8192xi32, #tpu.memory_space<vmem>>
    %dma_wait3A_148 = tpu.memref_slice %arg5[%add3A_73] : memref<1048576xi32, #tpu.memory_space<hbm>> -> memref<8192xi32, #tpu.memory_space<hbm>>
    %dma_wait3A_149 = arith.constant 0 : i32
    %dma_wait3A_150 = tpu.memref_slice %arg11[%dma_wait3A_144, %dma_wait3A_149] : memref<2x8192xi32, #tpu.memory_space<vmem>> -> memref<1x8192xi32, #tpu.memory_space<vmem>>
    %dma_wait3A_151 = tpu.memref_squeeze %dma_wait3A_150 : memref<1x8192xi32, #tpu.memory_space<vmem>> -> memref<8192xi32, #tpu.memory_space<vmem>>
    %dma_wait3A_152 = tpu.memref_slice %arg5[%add3A_73] : memref<1048576xi32, #tpu.memory_space<hbm>> -> memref<8192xi32, #tpu.memory_space<hbm>>
    tpu.wait_dma2 semaphore(%arg15 : memref<!tpu.dma_semaphore, #tpu.memory_space<semaphore_mem>>) src(%dma_wait3A_152 : memref<8192xi32, #tpu.memory_space<hbm>>) dst(%dma_wait3A_151 : memref<8192xi32, #tpu.memory_space<vmem>>)
    %dma_wait3A_153 = arith.constant 0 : i32
    %dma_wait3A_154 = arith.constant 0 : i32
    %dma_wait3A_155 = tpu.memref_slice %arg12[%dma_wait3A_153, %dma_wait3A_154] : memref<2x8192xi32, #tpu.memory_space<vmem>> -> memref<1x8192xi32, #tpu.memory_space<vmem>>
    %dma_wait3A_156 = tpu.memref_squeeze %dma_wait3A_155 : memref<1x8192xi32, #tpu.memory_space<vmem>> -> memref<8192xi32, #tpu.memory_space<vmem>>
    %dma_wait3A_157 = tpu.memref_slice %arg6[%add3A_73] : memref<1048576xi32, #tpu.memory_space<hbm>> -> memref<8192xi32, #tpu.memory_space<hbm>>
    %dma_wait3A_158 = arith.constant 0 : i32
    %dma_wait3A_159 = tpu.memref_slice %arg12[%dma_wait3A_153, %dma_wait3A_158] : memref<2x8192xi32, #tpu.memory_space<vmem>> -> memref<1x8192xi32, #tpu.memory_space<vmem>>
    %dma_wait3A_160 = tpu.memref_squeeze %dma_wait3A_159 : memref<1x8192xi32, #tpu.memory_space<vmem>> -> memref<8192xi32, #tpu.memory_space<vmem>>
    %dma_wait3A_161 = tpu.memref_slice %arg6[%add3A_73] : memref<1048576xi32, #tpu.memory_space<hbm>> -> memref<8192xi32, #tpu.memory_space<hbm>>
    tpu.wait_dma2 semaphore(%arg15 : memref<!tpu.dma_semaphore, #tpu.memory_space<semaphore_mem>>) src(%dma_wait3A_161 : memref<8192xi32, #tpu.memory_space<hbm>>) dst(%dma_wait3A_160 : memref<8192xi32, #tpu.memory_space<vmem>>)
    %dma_wait3A_162 = arith.constant 0 : i32
    %dma_wait3A_163 = arith.constant 0 : i32
    %dma_wait3A_164 = tpu.memref_slice %arg13[%dma_wait3A_162, %dma_wait3A_163] : memref<2x8192xf32, #tpu.memory_space<vmem>> -> memref<1x8192xf32, #tpu.memory_space<vmem>>
    %dma_wait3A_165 = tpu.memref_squeeze %dma_wait3A_164 : memref<1x8192xf32, #tpu.memory_space<vmem>> -> memref<8192xf32, #tpu.memory_space<vmem>>
    %dma_wait3A_166 = tpu.memref_slice %arg7[%add3A_62] : memref<1048576xf32, #tpu.memory_space<hbm>> -> memref<8192xf32, #tpu.memory_space<hbm>>
    %dma_wait3A_167 = tpu.memref_slice %arg7[%add3A_62] : memref<1048576xf32, #tpu.memory_space<hbm>> -> memref<8192xf32, #tpu.memory_space<hbm>>
    %dma_wait3A_168 = arith.constant 0 : i32
    %dma_wait3A_169 = tpu.memref_slice %arg13[%dma_wait3A_162, %dma_wait3A_168] : memref<2x8192xf32, #tpu.memory_space<vmem>> -> memref<1x8192xf32, #tpu.memory_space<vmem>>
    %dma_wait3A_170 = tpu.memref_squeeze %dma_wait3A_169 : memref<1x8192xf32, #tpu.memory_space<vmem>> -> memref<8192xf32, #tpu.memory_space<vmem>>
    tpu.wait_dma2 semaphore(%arg17 : memref<!tpu.dma_semaphore, #tpu.memory_space<semaphore_mem>>) src(%dma_wait3A_170 : memref<8192xf32, #tpu.memory_space<vmem>>) dst(%dma_wait3A_167 : memref<8192xf32, #tpu.memory_space<hbm>>)
    %parallel_loop3A_171 = arith.constant 0 : i32
    %parallel_loop3A_172 = arith.constant 512 : i32
    %parallel_loop3A_173 = arith.constant 1 : i32
    scf.for %parallel_loop3A_244 = %parallel_loop3A_171 to %parallel_loop3A_172 step %parallel_loop3A_173  : i32 {
      %parallel_loop3A_245 = arith.constant 16 : i32
      %parallel_loop3A_246 = arith.muli %parallel_loop3A_244, %parallel_loop3A_245 : i32
      %parallel_loop3A_247 = arith.constant 0 : i32
      %parallel_loop3A_248 = arith.index_cast %parallel_loop3A_247 : i32 to index
      %parallel_loop3A_249 = arith.index_cast %parallel_loop3A_246 : i32 to index
      %parallel_loop3A_250 = tpu.vector_load %arg11[%parallel_loop3A_248, %parallel_loop3A_249] {strides = array<i32>} : memref<2x8192xi32, #tpu.memory_space<vmem>>, vector<16xi32>,
      %parallel_loop3A_251 = arith.constant 16 : i32
      %parallel_loop3A_252 = arith.muli %parallel_loop3A_244, %parallel_loop3A_251 : i32
      %parallel_loop3A_253 = arith.constant 0 : i32
      %parallel_loop3A_254 = arith.index_cast %parallel_loop3A_253 : i32 to index
      %parallel_loop3A_255 = arith.index_cast %parallel_loop3A_252 : i32 to index
      %parallel_loop3A_256 = tpu.vector_load %arg12[%parallel_loop3A_254, %parallel_loop3A_255] {strides = array<i32>} : memref<2x8192xi32, #tpu.memory_space<vmem>>, vector<16xi32>,
      %parallel_loop3A_257 = tpu.vector_load_idx %arg8[%parallel_loop3A_250] : memref<16384xf32, #tpu.memory_space<vmem>>[vector<16xi32>], vector<16xf32>,
      %parallel_loop3A_258 = tpu.vector_load_idx %arg8[%parallel_loop3A_256] : memref<16384xf32, #tpu.memory_space<vmem>>[vector<16xi32>], vector<16xf32>,
      %parallel_loop3A_259 = arith.subf %parallel_loop3A_257, %parallel_loop3A_258 : vector<16xf32>
      %parallel_loop3A_260 = tpu.vector_load_idx %arg9[%parallel_loop3A_250] : memref<16384xf32, #tpu.memory_space<vmem>>[vector<16xi32>], vector<16xf32>,
      %parallel_loop3A_261 = tpu.vector_load_idx %arg9[%parallel_loop3A_256] : memref<16384xf32, #tpu.memory_space<vmem>>[vector<16xi32>], vector<16xf32>,
      %parallel_loop3A_262 = arith.subf %parallel_loop3A_260, %parallel_loop3A_261 : vector<16xf32>
      %parallel_loop3A_263 = tpu.vector_load_idx %arg10[%parallel_loop3A_250] : memref<16384xf32, #tpu.memory_space<vmem>>[vector<16xi32>], vector<16xf32>,
      %parallel_loop3A_264 = tpu.vector_load_idx %arg10[%parallel_loop3A_256] : memref<16384xf32, #tpu.memory_space<vmem>>[vector<16xi32>], vector<16xf32>,
      %parallel_loop3A_265 = arith.subf %parallel_loop3A_263, %parallel_loop3A_264 : vector<16xf32>
      %parallel_loop3A_266 = arith.mulf %parallel_loop3A_259, %parallel_loop3A_259 : vector<16xf32>
      %parallel_loop3A_267 = arith.mulf %parallel_loop3A_262, %parallel_loop3A_262 : vector<16xf32>
      %parallel_loop3A_268 = arith.addf %parallel_loop3A_266, %parallel_loop3A_267 : vector<16xf32>
      %parallel_loop3A_269 = arith.mulf %parallel_loop3A_265, %parallel_loop3A_265 : vector<16xf32>
      %parallel_loop3A_270 = arith.addf %parallel_loop3A_268, %parallel_loop3A_269 : vector<16xf32>
      %parallel_loop3A_271 = arith.constant 16 : i32
      %parallel_loop3A_272 = arith.muli %parallel_loop3A_244, %parallel_loop3A_271 : i32
      %parallel_loop3A_273 = arith.constant 0 : i32
      %parallel_loop3A_274 = arith.index_cast %parallel_loop3A_273 : i32 to index
      %parallel_loop3A_275 = arith.index_cast %parallel_loop3A_272 : i32 to index
      %parallel_loop3A_276 = tpu.vector_load %arg13[%parallel_loop3A_274, %parallel_loop3A_275] {strides = array<i32>} : memref<2x8192xf32, #tpu.memory_space<vmem>>, vector<16xf32>,
      tpu.vector_store %arg13[%parallel_loop3A_274, %parallel_loop3A_275], %parallel_loop3A_270 {strides = array<i32>} : memref<2x8192xf32, #tpu.memory_space<vmem>>, vector<16xf32>,
    } {sc.loop_unroll_factor = 8 : i64, sc.parallel_access}
    %add3A_174 = arith.constant 16384 : i32
    %add3A_175 = arith.addi %mul3A_2, %add3A_174 : i32
    %dma_start3A_176 = arith.constant 0 : i32
    %dma_start3A_177 = arith.constant 0 : i32
    %dma_start3A_178 = tpu.memref_slice %arg13[%dma_start3A_176, %dma_start3A_177] : memref<2x8192xf32, #tpu.memory_space<vmem>> -> memref<1x8192xf32, #tpu.memory_space<vmem>>
    %dma_start3A_179 = tpu.memref_squeeze %dma_start3A_178 : memref<1x8192xf32, #tpu.memory_space<vmem>> -> memref<8192xf32, #tpu.memory_space<vmem>>
    %dma_start3A_180 = tpu.memref_slice %arg7[%add3A_175] : memref<1048576xf32, #tpu.memory_space<hbm>> -> memref<8192xf32, #tpu.memory_space<hbm>>
    %dma_start3A_181 = tpu.memref_slice %arg7[%add3A_175] : memref<1048576xf32, #tpu.memory_space<hbm>> -> memref<8192xf32, #tpu.memory_space<hbm>>
    %dma_start3A_182 = arith.constant 0 : i32
    %dma_start3A_183 = tpu.memref_slice %arg13[%dma_start3A_176, %dma_start3A_182] : memref<2x8192xf32, #tpu.memory_space<vmem>> -> memref<1x8192xf32, #tpu.memory_space<vmem>>
    %dma_start3A_184 = tpu.memref_squeeze %dma_start3A_183 : memref<1x8192xf32, #tpu.memory_space<vmem>> -> memref<8192xf32, #tpu.memory_space<vmem>>
    tpu.enqueue_dma source(%dma_start3A_184 : memref<8192xf32, #tpu.memory_space<vmem>>) target(%dma_start3A_181 : memref<8192xf32, #tpu.memory_space<hbm>>) target_semaphore(%arg17 : memref<!tpu.dma_semaphore, #tpu.memory_space<semaphore_mem>>)
    %dma_wait3A_185 = arith.constant 1 : i32
    %dma_wait3A_186 = arith.constant 0 : i32
    %dma_wait3A_187 = tpu.memref_slice %arg11[%dma_wait3A_185, %dma_wait3A_186] : memref<2x8192xi32, #tpu.memory_space<vmem>> -> memref<1x8192xi32, #tpu.memory_space<vmem>>
    %dma_wait3A_188 = tpu.memref_squeeze %dma_wait3A_187 : memref<1x8192xi32, #tpu.memory_space<vmem>> -> memref<8192xi32, #tpu.memory_space<vmem>>
    %dma_wait3A_189 = tpu.memref_slice %arg5[%add3A_125] : memref<1048576xi32, #tpu.memory_space<hbm>> -> memref<8192xi32, #tpu.memory_space<hbm>>
    %dma_wait3A_190 = arith.constant 0 : i32
    %dma_wait3A_191 = tpu.memref_slice %arg11[%dma_wait3A_185, %dma_wait3A_190] : memref<2x8192xi32, #tpu.memory_space<vmem>> -> memref<1x8192xi32, #tpu.memory_space<vmem>>
    %dma_wait3A_192 = tpu.memref_squeeze %dma_wait3A_191 : memref<1x8192xi32, #tpu.memory_space<vmem>> -> memref<8192xi32, #tpu.memory_space<vmem>>
    %dma_wait3A_193 = tpu.memref_slice %arg5[%add3A_125] : memref<1048576xi32, #tpu.memory_space<hbm>> -> memref<8192xi32, #tpu.memory_space<hbm>>
    tpu.wait_dma2 semaphore(%arg16 : memref<!tpu.dma_semaphore, #tpu.memory_space<semaphore_mem>>) src(%dma_wait3A_193 : memref<8192xi32, #tpu.memory_space<hbm>>) dst(%dma_wait3A_192 : memref<8192xi32, #tpu.memory_space<vmem>>)
    %dma_wait3A_194 = arith.constant 1 : i32
    %dma_wait3A_195 = arith.constant 0 : i32
    %dma_wait3A_196 = tpu.memref_slice %arg12[%dma_wait3A_194, %dma_wait3A_195] : memref<2x8192xi32, #tpu.memory_space<vmem>> -> memref<1x8192xi32, #tpu.memory_space<vmem>>
    %dma_wait3A_197 = tpu.memref_squeeze %dma_wait3A_196 : memref<1x8192xi32, #tpu.memory_space<vmem>> -> memref<8192xi32, #tpu.memory_space<vmem>>
    %dma_wait3A_198 = tpu.memref_slice %arg6[%add3A_125] : memref<1048576xi32, #tpu.memory_space<hbm>> -> memref<8192xi32, #tpu.memory_space<hbm>>
    %dma_wait3A_199 = arith.constant 0 : i32
    %dma_wait3A_200 = tpu.memref_slice %arg12[%dma_wait3A_194, %dma_wait3A_199] : memref<2x8192xi32, #tpu.memory_space<vmem>> -> memref<1x8192xi32, #tpu.memory_space<vmem>>
    %dma_wait3A_201 = tpu.memref_squeeze %dma_wait3A_200 : memref<1x8192xi32, #tpu.memory_space<vmem>> -> memref<8192xi32, #tpu.memory_space<vmem>>
    %dma_wait3A_202 = tpu.memref_slice %arg6[%add3A_125] : memref<1048576xi32, #tpu.memory_space<hbm>> -> memref<8192xi32, #tpu.memory_space<hbm>>
    tpu.wait_dma2 semaphore(%arg16 : memref<!tpu.dma_semaphore, #tpu.memory_space<semaphore_mem>>) src(%dma_wait3A_202 : memref<8192xi32, #tpu.memory_space<hbm>>) dst(%dma_wait3A_201 : memref<8192xi32, #tpu.memory_space<vmem>>)
    %dma_wait3A_203 = arith.constant 1 : i32
    %dma_wait3A_204 = arith.constant 0 : i32
    %dma_wait3A_205 = tpu.memref_slice %arg13[%dma_wait3A_203, %dma_wait3A_204] : memref<2x8192xf32, #tpu.memory_space<vmem>> -> memref<1x8192xf32, #tpu.memory_space<vmem>>
    %dma_wait3A_206 = tpu.memref_squeeze %dma_wait3A_205 : memref<1x8192xf32, #tpu.memory_space<vmem>> -> memref<8192xf32, #tpu.memory_space<vmem>>
    %dma_wait3A_207 = tpu.memref_slice %arg7[%add3A_114] : memref<1048576xf32, #tpu.memory_space<hbm>> -> memref<8192xf32, #tpu.memory_space<hbm>>
    %dma_wait3A_208 = tpu.memref_slice %arg7[%add3A_114] : memref<1048576xf32, #tpu.memory_space<hbm>> -> memref<8192xf32, #tpu.memory_space<hbm>>
    %dma_wait3A_209 = arith.constant 0 : i32
    %dma_wait3A_210 = tpu.memref_slice %arg13[%dma_wait3A_203, %dma_wait3A_209] : memref<2x8192xf32, #tpu.memory_space<vmem>> -> memref<1x8192xf32, #tpu.memory_space<vmem>>
    %dma_wait3A_211 = tpu.memref_squeeze %dma_wait3A_210 : memref<1x8192xf32, #tpu.memory_space<vmem>> -> memref<8192xf32, #tpu.memory_space<vmem>>
    tpu.wait_dma2 semaphore(%arg18 : memref<!tpu.dma_semaphore, #tpu.memory_space<semaphore_mem>>) src(%dma_wait3A_211 : memref<8192xf32, #tpu.memory_space<vmem>>) dst(%dma_wait3A_208 : memref<8192xf32, #tpu.memory_space<hbm>>)
    %parallel_loop3A_212 = arith.constant 0 : i32
    %parallel_loop3A_213 = arith.constant 512 : i32
    %parallel_loop3A_214 = arith.constant 1 : i32
    scf.for %parallel_loop3A_244 = %parallel_loop3A_212 to %parallel_loop3A_213 step %parallel_loop3A_214  : i32 {
      %parallel_loop3A_245 = arith.constant 16 : i32
      %parallel_loop3A_246 = arith.muli %parallel_loop3A_244, %parallel_loop3A_245 : i32
      %parallel_loop3A_247 = arith.constant 1 : i32
      %parallel_loop3A_248 = arith.index_cast %parallel_loop3A_247 : i32 to index
      %parallel_loop3A_249 = arith.index_cast %parallel_loop3A_246 : i32 to index
      %parallel_loop3A_250 = tpu.vector_load %arg11[%parallel_loop3A_248, %parallel_loop3A_249] {strides = array<i32>} : memref<2x8192xi32, #tpu.memory_space<vmem>>, vector<16xi32>,
      %parallel_loop3A_251 = arith.constant 16 : i32
      %parallel_loop3A_252 = arith.muli %parallel_loop3A_244, %parallel_loop3A_251 : i32
      %parallel_loop3A_253 = arith.constant 1 : i32
      %parallel_loop3A_254 = arith.index_cast %parallel_loop3A_253 : i32 to index
      %parallel_loop3A_255 = arith.index_cast %parallel_loop3A_252 : i32 to index
      %parallel_loop3A_256 = tpu.vector_load %arg12[%parallel_loop3A_254, %parallel_loop3A_255] {strides = array<i32>} : memref<2x8192xi32, #tpu.memory_space<vmem>>, vector<16xi32>,
      %parallel_loop3A_257 = tpu.vector_load_idx %arg8[%parallel_loop3A_250] : memref<16384xf32, #tpu.memory_space<vmem>>[vector<16xi32>], vector<16xf32>,
      %parallel_loop3A_258 = tpu.vector_load_idx %arg8[%parallel_loop3A_256] : memref<16384xf32, #tpu.memory_space<vmem>>[vector<16xi32>], vector<16xf32>,
      %parallel_loop3A_259 = arith.subf %parallel_loop3A_257, %parallel_loop3A_258 : vector<16xf32>
      %parallel_loop3A_260 = tpu.vector_load_idx %arg9[%parallel_loop3A_250] : memref<16384xf32, #tpu.memory_space<vmem>>[vector<16xi32>], vector<16xf32>,
      %parallel_loop3A_261 = tpu.vector_load_idx %arg9[%parallel_loop3A_256] : memref<16384xf32, #tpu.memory_space<vmem>>[vector<16xi32>], vector<16xf32>,
      %parallel_loop3A_262 = arith.subf %parallel_loop3A_260, %parallel_loop3A_261 : vector<16xf32>
      %parallel_loop3A_263 = tpu.vector_load_idx %arg10[%parallel_loop3A_250] : memref<16384xf32, #tpu.memory_space<vmem>>[vector<16xi32>], vector<16xf32>,
      %parallel_loop3A_264 = tpu.vector_load_idx %arg10[%parallel_loop3A_256] : memref<16384xf32, #tpu.memory_space<vmem>>[vector<16xi32>], vector<16xf32>,
      %parallel_loop3A_265 = arith.subf %parallel_loop3A_263, %parallel_loop3A_264 : vector<16xf32>
      %parallel_loop3A_266 = arith.mulf %parallel_loop3A_259, %parallel_loop3A_259 : vector<16xf32>
      %parallel_loop3A_267 = arith.mulf %parallel_loop3A_262, %parallel_loop3A_262 : vector<16xf32>
      %parallel_loop3A_268 = arith.addf %parallel_loop3A_266, %parallel_loop3A_267 : vector<16xf32>
      %parallel_loop3A_269 = arith.mulf %parallel_loop3A_265, %parallel_loop3A_265 : vector<16xf32>
      %parallel_loop3A_270 = arith.addf %parallel_loop3A_268, %parallel_loop3A_269 : vector<16xf32>
      %parallel_loop3A_271 = arith.constant 16 : i32
      %parallel_loop3A_272 = arith.muli %parallel_loop3A_244, %parallel_loop3A_271 : i32
      %parallel_loop3A_273 = arith.constant 1 : i32
      %parallel_loop3A_274 = arith.index_cast %parallel_loop3A_273 : i32 to index
      %parallel_loop3A_275 = arith.index_cast %parallel_loop3A_272 : i32 to index
      %parallel_loop3A_276 = tpu.vector_load %arg13[%parallel_loop3A_274, %parallel_loop3A_275] {strides = array<i32>} : memref<2x8192xf32, #tpu.memory_space<vmem>>, vector<16xf32>,
      tpu.vector_store %arg13[%parallel_loop3A_274, %parallel_loop3A_275], %parallel_loop3A_270 {strides = array<i32>} : memref<2x8192xf32, #tpu.memory_space<vmem>>, vector<16xf32>,
    } {sc.loop_unroll_factor = 8 : i64, sc.parallel_access}
    %add3A_215 = arith.constant 24576 : i32
    %add3A_216 = arith.addi %mul3A_2, %add3A_215 : i32
    %dma_start3A_217 = arith.constant 1 : i32
    %dma_start3A_218 = arith.constant 0 : i32
    %dma_start3A_219 = tpu.memref_slice %arg13[%dma_start3A_217, %dma_start3A_218] : memref<2x8192xf32, #tpu.memory_space<vmem>> -> memref<1x8192xf32, #tpu.memory_space<vmem>>
    %dma_start3A_220 = tpu.memref_squeeze %dma_start3A_219 : memref<1x8192xf32, #tpu.memory_space<vmem>> -> memref<8192xf32, #tpu.memory_space<vmem>>
    %dma_start3A_221 = tpu.memref_slice %arg7[%add3A_216] : memref<1048576xf32, #tpu.memory_space<hbm>> -> memref<8192xf32, #tpu.memory_space<hbm>>
    %dma_start3A_222 = tpu.memref_slice %arg7[%add3A_216] : memref<1048576xf32, #tpu.memory_space<hbm>> -> memref<8192xf32, #tpu.memory_space<hbm>>
    %dma_start3A_223 = arith.constant 0 : i32
    %dma_start3A_224 = tpu.memref_slice %arg13[%dma_start3A_217, %dma_start3A_223] : memref<2x8192xf32, #tpu.memory_space<vmem>> -> memref<1x8192xf32, #tpu.memory_space<vmem>>
    %dma_start3A_225 = tpu.memref_squeeze %dma_start3A_224 : memref<1x8192xf32, #tpu.memory_space<vmem>> -> memref<8192xf32, #tpu.memory_space<vmem>>
    tpu.enqueue_dma source(%dma_start3A_225 : memref<8192xf32, #tpu.memory_space<vmem>>) target(%dma_start3A_222 : memref<8192xf32, #tpu.memory_space<hbm>>) target_semaphore(%arg18 : memref<!tpu.dma_semaphore, #tpu.memory_space<semaphore_mem>>)
    %dma_wait3A_226 = arith.constant 0 : i32
    %dma_wait3A_227 = arith.constant 0 : i32
    %dma_wait3A_228 = tpu.memref_slice %arg13[%dma_wait3A_226, %dma_wait3A_227] : memref<2x8192xf32, #tpu.memory_space<vmem>> -> memref<1x8192xf32, #tpu.memory_space<vmem>>
    %dma_wait3A_229 = tpu.memref_squeeze %dma_wait3A_228 : memref<1x8192xf32, #tpu.memory_space<vmem>> -> memref<8192xf32, #tpu.memory_space<vmem>>
    %dma_wait3A_230 = tpu.memref_slice %arg7[%add3A_175] : memref<1048576xf32, #tpu.memory_space<hbm>> -> memref<8192xf32, #tpu.memory_space<hbm>>
    %dma_wait3A_231 = tpu.memref_slice %arg7[%add3A_175] : memref<1048576xf32, #tpu.memory_space<hbm>> -> memref<8192xf32, #tpu.memory_space<hbm>>
    %dma_wait3A_232 = arith.constant 0 : i32
    %dma_wait3A_233 = tpu.memref_slice %arg13[%dma_wait3A_226, %dma_wait3A_232] : memref<2x8192xf32, #tpu.memory_space<vmem>> -> memref<1x8192xf32, #tpu.memory_space<vmem>>
    %dma_wait3A_234 = tpu.memref_squeeze %dma_wait3A_233 : memref<1x8192xf32, #tpu.memory_space<vmem>> -> memref<8192xf32, #tpu.memory_space<vmem>>
    tpu.wait_dma2 semaphore(%arg17 : memref<!tpu.dma_semaphore, #tpu.memory_space<semaphore_mem>>) src(%dma_wait3A_234 : memref<8192xf32, #tpu.memory_space<vmem>>) dst(%dma_wait3A_231 : memref<8192xf32, #tpu.memory_space<hbm>>)
    %dma_wait3A_235 = arith.constant 1 : i32
    %dma_wait3A_236 = arith.constant 0 : i32
    %dma_wait3A_237 = tpu.memref_slice %arg13[%dma_wait3A_235, %dma_wait3A_236] : memref<2x8192xf32, #tpu.memory_space<vmem>> -> memref<1x8192xf32, #tpu.memory_space<vmem>>
    %dma_wait3A_238 = tpu.memref_squeeze %dma_wait3A_237 : memref<1x8192xf32, #tpu.memory_space<vmem>> -> memref<8192xf32, #tpu.memory_space<vmem>>
    %dma_wait3A_239 = tpu.memref_slice %arg7[%add3A_216] : memref<1048576xf32, #tpu.memory_space<hbm>> -> memref<8192xf32, #tpu.memory_space<hbm>>
    %dma_wait3A_240 = tpu.memref_slice %arg7[%add3A_216] : memref<1048576xf32, #tpu.memory_space<hbm>> -> memref<8192xf32, #tpu.memory_space<hbm>>
    %dma_wait3A_241 = arith.constant 0 : i32
    %dma_wait3A_242 = tpu.memref_slice %arg13[%dma_wait3A_235, %dma_wait3A_241] : memref<2x8192xf32, #tpu.memory_space<vmem>> -> memref<1x8192xf32, #tpu.memory_space<vmem>>
    %dma_wait3A_243 = tpu.memref_squeeze %dma_wait3A_242 : memref<1x8192xf32, #tpu.memory_space<vmem>> -> memref<8192xf32, #tpu.memory_space<vmem>>
    tpu.wait_dma2 semaphore(%arg18 : memref<!tpu.dma_semaphore, #tpu.memory_space<semaphore_mem>>) src(%dma_wait3A_243 : memref<8192xf32, #tpu.memory_space<vmem>>) dst(%dma_wait3A_240 : memref<8192xf32, #tpu.memory_space<hbm>>)
    return
  }
}

module attributes {stable_mosaic.version = 14 : i64} {
  func.func @_param_body(%arg0: i32, %arg1: memref<1024x1xf32, #tpu.memory_space<vmem>>, %arg2: memref<1024x1xf32, #tpu.memory_space<vmem>>, %arg3: memref<1024x1xf32, #tpu.memory_space<vmem>>, %arg4: memref<128x128xf32, #tpu.memory_space<vmem>>, %arg5: memref<128x256xf32, #tpu.memory_space<vmem>>, %arg6: memref<1x256xf32, #tpu.memory_space<vmem>>, %arg7: memref<1024x256xf32, #tpu.memory_space<vmem>>) attributes {dimension_semantics = [#tpu.dimension_semantics<arbitrary>], iteration_bounds = array<i64: 16>, scalar_prefetch = 0 : i64, scratch_operands = 0 : i64, tpu.core_type = #tpu.core_type<tc>, window_params = [{transform_indices = @transform_0, window_bounds = array<i64: 1024, 1>}, {transform_indices = @transform_1, window_bounds = array<i64: 1024, 1>}, {transform_indices = @transform_2, window_bounds = array<i64: 1024, 1>}, {pipeline_mode = #tpu.pipeline_mode<synchronous>, transform_indices = @transform_3, window_bounds = array<i64: 128, 128>}, {pipeline_mode = #tpu.pipeline_mode<synchronous>, transform_indices = @transform_4, window_bounds = array<i64: 128, 256>}, {pipeline_mode = #tpu.pipeline_mode<synchronous>, transform_indices = @transform_5, window_bounds = array<i64: 1, 256>}, {transform_indices = @transform_6, window_bounds = array<i64: 1024, 256>}]} {
    %get3A = arith.constant 0 : index
    %get3A_0 = arith.constant 0 : index
    %get3A_1 = vector.load %arg1[%get3A, %get3A_0] : memref<1024x1xf32, #tpu.memory_space<vmem>>, vector<1024x1xf32>
    %iota3A = tpu.iota {dimensions = array<i32: 1>} : vector<1x128xi32>
    %convert_element_type3A = arith.sitofp %iota3A : vector<1x128xi32> to vector<1x128xf32>
    %eq3A = vector.broadcast %get3A_1 : vector<1024x1xf32> to vector<1024x128xf32>
    %eq3A_2 = vector.broadcast %convert_element_type3A : vector<1x128xf32> to vector<1024x128xf32>
    %eq3A_3 = arith.cmpf oeq, %eq3A, %eq3A_2 : vector<1024x128xf32>
    %convert_element_type3A_4 = arith.extui %eq3A_3 : vector<1024x128xi1> to vector<1024x128xi32>
    %convert_element_type3A_5 = arith.sitofp %convert_element_type3A_4 : vector<1024x128xi32> to vector<1024x128xf32>
    %get3A_6 = arith.constant 0 : index
    %get3A_7 = arith.constant 0 : index
    %get3A_8 = vector.load %arg4[%get3A_6, %get3A_7] : memref<128x128xf32, #tpu.memory_space<vmem>>, vector<128x128xf32>
    %dot_general3A = arith.constant dense<0.000000e+00> : vector<1024x128xf32>
    %dot_general3A_9 = tpu.matmul %convert_element_type3A_5, %get3A_8, %dot_general3A {dimension_numbers = #tpu.dot_dimension_numbers<[1], [0], [0], [1], [0, 0, 1, 1], [], []>, transpose_lhs_hint = false} : vector<1024x128xf32>, vector<128x128xf32>, vector<1024x128xf32> -> vector<1024x128xf32>
    %iota3A_10 = tpu.iota {dimensions = array<i32: 1>} : vector<1024x128xi32>
    %eq3A_11 = arith.constant 0 : i32
    %eq3A_12 = vector.broadcast %eq3A_11 : i32 to vector<1024x128xi32>
    %eq3A_13 = arith.cmpi eq, %iota3A_10, %eq3A_12 : vector<1024x128xi32>
    %get3A_14 = arith.constant 0 : index
    %get3A_15 = arith.constant 0 : index
    %get3A_16 = vector.load %arg2[%get3A_14, %get3A_15] : memref<1024x1xf32, #tpu.memory_space<vmem>>, vector<1024x1xf32>
    %broadcast_in_dim3A = vector.shape_cast %get3A_16 : vector<1024x1xf32> to vector<1024x1xf32>
    %broadcast_in_dim3A_17 = vector.broadcast %broadcast_in_dim3A : vector<1024x1xf32> to vector<1024x128xf32>
    %select_n3A = arith.select %eq3A_13, %broadcast_in_dim3A_17, %dot_general3A_9 : vector<1024x128xi1>, vector<1024x128xf32>
    %get3A_18 = arith.constant 0 : index
    %get3A_19 = arith.constant 0 : index
    %get3A_20 = vector.load %arg3[%get3A_18, %get3A_19] : memref<1024x1xf32, #tpu.memory_space<vmem>>, vector<1024x1xf32>
    %mul3A = vector.broadcast %get3A_20 : vector<1024x1xf32> to vector<1024x128xf32>
    %mul3A_21 = arith.mulf %select_n3A, %mul3A : vector<1024x128xf32>
    %get3A_22 = arith.constant 0 : index
    %get3A_23 = arith.constant 0 : index
    %get3A_24 = vector.load %arg5[%get3A_22, %get3A_23] : memref<128x256xf32, #tpu.memory_space<vmem>>, vector<128x256xf32>
    %dot_general3A_25 = arith.constant dense<0.000000e+00> : vector<1024x256xf32>
    %dot_general3A_26 = tpu.matmul %mul3A_21, %get3A_24, %dot_general3A_25 {dimension_numbers = #tpu.dot_dimension_numbers<[1], [0], [0], [1], [0, 0, 1, 1], [], []>, transpose_lhs_hint = false} : vector<1024x128xf32>, vector<128x256xf32>, vector<1024x256xf32> -> vector<1024x256xf32>
    %get3A_27 = arith.constant 0 : index
    %get3A_28 = arith.constant 0 : index
    %get3A_29 = vector.load %arg6[%get3A_27, %get3A_28] : memref<1x256xf32, #tpu.memory_space<vmem>>, vector<1x256xf32>
    %add3A = vector.broadcast %get3A_29 : vector<1x256xf32> to vector<1024x256xf32>
    %add3A_30 = arith.addf %dot_general3A_26, %add3A : vector<1024x256xf32>
    %swap3A = arith.constant 0 : index
    %swap3A_31 = arith.constant 0 : index
    %swap3A_32 = vector.load %arg7[%swap3A, %swap3A_31] : memref<1024x256xf32, #tpu.memory_space<vmem>>, vector<1024x256xf32>
    tpu.vector_store %arg7[%swap3A, %swap3A_31], %add3A_30 {strides = array<i32>} : memref<1024x256xf32, #tpu.memory_space<vmem>>, vector<1024x256xf32>,
    return
  }
  func.func @transform_0(%arg0: i32) -> (i32, i32) {
    %c0_i32 = arith.constant 0 : i32
    %c0_i32_0 = arith.constant 0 : i32
    return %arg0, %c0_i32 : i32, i32
  }
  func.func @transform_1(%arg0: i32) -> (i32, i32) {
    %c0_i32 = arith.constant 0 : i32
    %c0_i32_0 = arith.constant 0 : i32
    return %arg0, %c0_i32 : i32, i32
  }
  func.func @transform_2(%arg0: i32) -> (i32, i32) {
    %c0_i32 = arith.constant 0 : i32
    %c0_i32_0 = arith.constant 0 : i32
    return %arg0, %c0_i32 : i32, i32
  }
  func.func @transform_3(%arg0: i32) -> (i32, i32) {
    %c0_i32 = arith.constant 0 : i32
    %c0_i32_0 = arith.constant 0 : i32
    %c0_i32_1 = arith.constant 0 : i32
    return %c0_i32, %c0_i32_0 : i32, i32
  }
  func.func @transform_4(%arg0: i32) -> (i32, i32) {
    %c0_i32 = arith.constant 0 : i32
    %c0_i32_0 = arith.constant 0 : i32
    %c0_i32_1 = arith.constant 0 : i32
    return %c0_i32, %c0_i32_0 : i32, i32
  }
  func.func @transform_5(%arg0: i32) -> (i32, i32) {
    %c0_i32 = arith.constant 0 : i32
    %c0_i32_0 = arith.constant 0 : i32
    %c0_i32_1 = arith.constant 0 : i32
    return %c0_i32, %c0_i32_0 : i32, i32
  }
  func.func @transform_6(%arg0: i32) -> (i32, i32) {
    %c0_i32 = arith.constant 0 : i32
    %c0_i32_0 = arith.constant 0 : i32
    return %arg0, %c0_i32 : i32, i32
  }
}

</mosaic_0001>

<sc_bundles>
// kernel: kernel.4.cloned.1.call-start
scs
__scs_entry_jumppad:
0x0: {  	(pc) =	sbr.rel $0x88, $3  }
0x1: {  	(tag) =	ssettag $0x0;
	lr =	simm.s32 $0x1  }
0x2: {  	[smem:$0x3F98] =	sst lr;
	_ =	strace $0xD0000000  }
0x3: {  	_ = 	snop  }
0x4: {  	_ = 	snop  }
0x5: {  	_ = 	snop  }
0x6: {  	_ = 	snop  }
0x7: {  	_ = 	snop  }
__scs_overlays_trampoline_lowered:
0x8: {  	[smem:$0x3FA7] =	sst s0  }
0x9: {  	[smem:$0x3FA8] =	sst s1  }
0xa: {  	[smem:$0x3FA9] =	sst s2  }
0xb: {  	[smem:$0x3FAA] =	sst s3  }
0xc: {  	[smem:$0x3FAB] =	sst s4  }
0xd: {  	[smem:$0x3FAC] =	sst s5  }
0xe: {  	[smem:$0x3FAD] =	sst s6  }
0xf: {  	[smem:$0x3FAE] =	sst s7  }
0x10: {  	[smem:$0x3FAF] =	sst s8  }
0x11: {  	[smem:$0x3FB0] =	sst s9;
	s0 =	simm.s32 @!p0 $0x0  }
0x12: {  	s1 =	sld [smem:$0x3F96];
	s0 =	simm.s32 @p0 $0x1  }
0x13: {  	[smem:$0x3FB1] =	sst s0;
	s0 =	simm.s32 @!p1 $0x0  }
0x14: {  	s2 =	sld [smem:$0x3F95];
	s0 =	simm.s32 @p1 $0x1  }
0x15: {  	[smem:$0x3FB2] =	sst s0;
	s0 =	simm.s32 @!p2 $0x0  }
0x16: {  	s3 =	sld [smem:$0x3FDB];
	s0 =	simm.s32 @p2 $0x1  }
0x17: {  	s4 =	simm.s32 $0x1BF5;
	[smem:$0x3FB4] =	sst s0  }
0x18: {  	s0 =	sld [smem:$0x3F97];
	_ =	swait.ge [sflag:s4], $0x0  }
0x19: {  	s7 =	sld [smem:$0x3F98]  }
0x1a: {  	s8 =	sadd.s32 $0xFFFFE003, lr  }
0x1b: {  	s9 =	sadd.s32 $0xFFFFFEF7, lr;
	s5 =	simm.s32 $0xFFFFFFFF;
	p2 =	slt.u32 s8, $0xFFFFF086  }
0x1c: {  	p1 =	slt.u32 s9, $0xF7A;
	s5 =	simm.s32 @!p2 $0x0  }
0x1d: {  	s5 =	simm.s32 @p1 $0x1;
	p0 =	seq.s32 s7, s2  }
0x1e: {  	s7 =	smul.u32 @!p0 $0xF7A, s2;
	p2 =	seq.s32 @!p0 s5, $0x0  }
0x1f: {  	s9 =	smul.u32 $0xF7A, s1;
	s8 =	simm.s32 @!p0 $0x1BF5;
	p2 =	por !p2, p0  }
0x20: {  	[sflag:s8] =	ssyncset.s32 @!p0 $0xFFFFF086;
	s6 =	sadd.s32 @!p0 s3, s7;
	s7 =	simm.s32 @!p0 $0x108  }
0x21: {  	s3 =	sadd.s32 s3, s9;
	s6 =	sadd.s32 @!p0 $0x88, s6;
	s7 =	simm.s32 @p2 $0x1082  }
0x22: {  	[simem:s7], [sflag:s8] =	dma.local @!p0 [hbm:s6], $0xF7A  }
0x23: {  	s9 =	sor.u32 $0xD0000000, s2;
	s6 =	simm.s32 $0x108;
	_ =	swait.ge @!p0 [sflag:s8], $0x0  }
0x24: {  	s3 =	sadd.s32 $0x88, s3;
	s6 =	simm.s32 @!p1 $0x1082;
	[sflag:s4] =	ssyncset.s32 $0xFFFFF086  }
0x25: {  	[simem:s6], [sflag:s4] =	dma.local [hbm:s3], $0xF7A  }
0x26: {  	[smem:$0x3F98] =	sst s1;
	(tag) =	ssettag s2;
	_ =	strace s9  }
0x27: {  	s1 =	sld [smem:$0x3FA8]  }
0x28: {  	s2 =	sld [smem:$0x3FA9]  }
0x29: {  	s4 =	sld [smem:$0x3FAB]  }
0x2a: {  	p0 =	seq.s32 s5, $0x0;
	s5 =	sld [smem:$0x3FAC]  }
0x2b: {  	s6 =	sld [smem:$0x3FAD]  }
0x2c: {  	s7 =	sld [smem:$0x3FAE]  }
0x2d: {  	s3 =	simm.s32 $0x108;
	s8 =	sld [smem:$0x3FAF]  }
0x2e: {  	s3 =	simm.s32 @!p0 $0x1082;
	s9 =	sld [smem:$0x3FB0]  }
0x2f: {  	lr =	sadd.s32 s0, s3;
	s0 =	sld [smem:$0x3FA7]  }
0x30: {  	s3 =	sld [smem:$0x3FAA]  }
0x31: {  	[smem:$0x3FB3] =	sst s10  }
0x32: {  	s10 =	sld [smem:$0x3FB1];
	_ =	sdelay $0x3  }
0x33: {  	p0 =	seq.s32 s10, $0x1;
	s10 =	sld [smem:$0x3FB3];
	_ =	sdelay $0x3  }
0x34: {  	[smem:$0x3FB3] =	sst s10  }
0x35: {  	s10 =	sld [smem:$0x3FB2];
	_ =	sdelay $0x3  }
0x36: {  	p1 =	seq.s32 s10, $0x1;
	s10 =	sld [smem:$0x3FB3];
	_ =	sdelay $0x3  }
0x37: {  	[smem:$0x3FB3] =	sst s10  }
0x38: {  	s10 =	sld [smem:$0x3FB4]  }
0x39: {  	_ = 	snop;
	(pc) =	sbr.ind lr, $3  }
0x3a: {  	_ = 	snop  }
0x3b: {  	_ = 	snop  }
0x3c: {  	p2 =	seq.s32 s10, $0x1;
	s10 =	sld [smem:$0x3FB3]  }
0x3d: {  	_ =	shalt  }
0x3e: {  	_ =	shalt  }
0x3f: {  	_ =	shalt  }
0x40: {  	_ =	shalt  }
0x41: {  	_ =	shalt  }
0x42: {  	_ =	shalt  }
0x43: {  	_ =	shalt  }
0x44: {  	_ =	shalt  }
0x45: {  	_ =	shalt  }
0x46: {  	_ =	shalt  }
0x47: {  	_ =	shalt  }
0x48: {  	_ =	shalt  }
0x49: {  	_ =	shalt  }
0x4a: {  	_ =	shalt  }
0x4b: {  	_ =	shalt  }
0x4c: {  	_ =	shalt  }
0x4d: {  	_ =	shalt  }
0x4e: {  	_ =	shalt  }
0x4f: {  	_ =	shalt  }
0x50: {  	_ =	shalt  }
0x51: {  	_ =	shalt  }
0x52: {  	_ =	shalt  }
0x53: {  	_ =	shalt  }
0x54: {  	_ =	shalt  }
0x55: {  	_ =	shalt  }
0x56: {  	_ =	shalt  }
0x57: {  	_ =	shalt  }
0x58: {  	_ =	shalt  }
0x59: {  	_ =	shalt  }
0x5a: {  	_ =	shalt  }
0x5b: {  	_ =	shalt  }
0x5c: {  	_ =	shalt  }
0x5d: {  	_ =	shalt  }
0x5e: {  	_ =	shalt  }
0x5f: {  	_ =	shalt  }
0x60: {  	_ =	shalt  }
0x61: {  	_ =	shalt  }
0x62: {  	_ =	shalt  }
0x63: {  	_ =	shalt  }
0x64: {  	_ =	shalt  }
0x65: {  	_ =	shalt  }
0x66: {  	_ =	shalt  }
0x67: {  	_ =	shalt  }
0x68: {  	_ =	shalt  }
0x69: {  	_ =	shalt  }
0x6a: {  	_ =	shalt  }
0x6b: {  	_ =	shalt  }
0x6c: {  	_ =	shalt  }
0x6d: {  	_ =	shalt  }
0x6e: {  	_ =	shalt  }
0x6f: {  	_ =	shalt  }
0x70: {  	_ =	shalt  }
0x71: {  	_ =	shalt  }
0x72: {  	_ =	shalt  }
0x73: {  	_ =	shalt  }
0x74: {  	_ =	shalt  }
0x75: {  	_ =	shalt  }
0x76: {  	_ =	shalt  }
0x77: {  	_ =	shalt  }
0x78: {  	_ =	shalt  }
0x79: {  	_ =	shalt  }
0x7a: {  	_ =	shalt  }
0x7b: {  	_ =	shalt  }
0x7c: {  	_ =	shalt  }
0x7d: {  	_ =	shalt  }
0x7e: {  	_ =	shalt  }
0x7f: {  	_ =	shalt  }
0x80: {  	_ =	shalt  }
0x81: {  	_ =	shalt  }
0x82: {  	_ =	shalt  }
0x83: {  	_ =	shalt  }
0x84: {  	_ =	shalt  }
0x85: {  	_ =	shalt  }
0x86: {  	_ =	shalt  }
0x87: {  	_ =	shalt  }
.Lfunc_end0:
.L_simem_size_0:
called_computation_lowered:
.L_overlay_start_0:
0x88: {  	s2 =	sld [smem:$0x3FD9]  }
0x89: {  	s3 =	sld [smem:$0x3FFE];
	_ =	sdelay $0x1  }
0x8a: {  	s1 =	srdreg.scid  }
0x8b: {  	s0 =	sand.u32 $0x1, s1  }
0x8c: {  	s14 =	sshll.u32 s0, $0xA;
	s2 =	sadd.s32 s3, s2  }
0x8d: {  	s2 =	sadd.s32 s2, s14  }
0x8e: {  	[smem:$0x3FBF] =	sst s2  }
0x8f: {  	_ = 	snop  }
0x90: {  	s2 =	sld [smem:$0x3FD0];
	_ =	sdelay $0x2  }
0x91: {  	s15 =	simm.s32 $0xA;
	s4 =	simm.s32 $0x10  }
0x92: {  	[smem:s4], [sflag:s15] =	dma.local [hbm:s2], $0x1  }
0x93: {  	_ =	swait.eq [sflag:s15], $0x1  }
0x94: {  	[sflag:s15] =	ssyncset.done $0x0  }
0x95: {  	s16 =	sld [smem:$0x11];
	[sflag:s15] =	ssyncadd.s32 $0xFFFFFFFF  }
0x96: {  	s17 =	sld [smem:$0x14];
	(tm) =	ssettm $0x1  }
0x97: {  	s18 =	sld [smem:$0x3FFB];
	_ =	sdelay $0x3  }
0x98: {  	_ =	strace s18  }
0x99: {  	s4 =	sld [smem:$0x3FFC];
	_ =	sdelay $0x3  }
0x9a: {  	_ =	strace s4  }
0x9b: {  	s4 =	sld [smem:$0x3FFD];
	_ =	sdelay $0x3  }
0x9c: {  	_ =	strace s4  }
0x9d: {  	_ =	strace $0x8FFFFFFF  }
0x9e: {  	s19 =	sld [smem:$0x3FDB];
	_ =	sdelay $0x1  }
0x9f: {  	s5 =	simm.s32 $_scs_section_size  }
0xa0: {  	s6 =	simm.s32 $_size__tile_overlayer_lowered;
	s7 =	simm.s32 $_tile_overlayer_lowered  }
0xa1: {  	s22 =	simm.s32 $0x1BFF;
	s21 =	sshll.u32 s7, $0x1;
	s4 =	sadd.s32 s5, s19  }
0xa2: {  	s8 =	simm.s32 $0x0;
	s20 =	sshll.u32 s6, $0x1;
	s6 =	sadd.s32 s21, s4  }
0xa3: {  	[timem:s8], [sflag:s22] =	dma.local [hbm:s6], s20  }
0xa4: {  	_ =	swait.ge [sflag:s22], s20  }
0xa5: {  	s5 =	ssub.s32 $0x0, s20;
	[sflag:s22] =	ssyncset.done $0x0  }
0xa6: {  	[sflag:s22] =	ssyncadd.s32 s5;
	_ =	sdelay $0x1  }
0xa7: {  	s23 =	simm.s32 $0x1B8B  }
0xa8: {  	_ =	swait.ge [sflag:s23], $0x1  }
0xa9: {  	[sflag:s23] =	ssyncset.done $0x0  }
0xaa: {  	s25 =	simm.s32 $0x1B8E;
	s24 =	sld [smem:$0x3FFE];
	[sflag:s23] =	ssyncadd.s32 $0xFFFFFFFF  }
0xab: {  	s26 =	simm.s32 $execute0_lowered;
	[smem:$0x3FD2] =	sst s25  }
0xac: {  	s6 =	sshll.u32 s26, $0x1;
	_ =	strace $0x80000046;
	[dreg:$0x1] =	wrdreg $0xFFFFFFFF  }
0xad: {  	s28 =	simm.s32 $_size_execute0_lowered;
	s4 =	sadd.s32 s4, s6;
	[dreg:$0x0] =	wrdreg $0x0  }
0xae: {  	s6 =	sshll.u32 s28, $0x1;
	[dreg:$0x2] =	wrdreg s4  }
0xaf: {  	[dreg:$0x3] =	wrdreg s6  }
0xb0: {  	[dreg:$0x4] =	wrdreg $0xC0  }
0xb1: {  	_ =	task [dreg:s8], $0x5FFFF  }
0xb2: {  	[dreg:$0x1] =	wrdreg $0xFFFFFFFF  }
0xb3: {  	[dreg:$0x0] =	wrdreg $0x60  }
0xb4: {  	[dreg:$0x2] =	wrdreg s24  }
0xb5: {  	[dreg:$0x3] =	wrdreg s17  }
0xb6: {  	[dreg:$0x4] =	wrdreg s16  }
0xb7: {  	[dreg:$0x5] =	wrdreg $0x9  }
0xb8: {  	_ =	task.clear_ibuf [dreg:s8], $0x6FFFF;
	_ =	strace $0x90000046  }
0xb9: {  	s29 =	simm.s32 $0x9;
	_ =	strace $0x80000048  }
0xba: {  	_ =	swait.ge [sflag:s29], $0x1  }
0xbb: {  	[sflag:s29] =	ssyncadd.s32 $0xFFFFFFFF  }
0xbc: {  	_ =	strace $0x90000048  }
0xbd: {  	_ =	sfence  }
0xbe: {  	s30 =	sld [smem:$0x0];
	_ =	sdelay $0x2  }
0xbf: {  	s31 =	sshll.u32 s1, $0xD;
	s1 =	sshrl.u32 s1, $0x2  }
0xc0: {  	s3 =	sand.u32 $0x4000, s31;
	s1 =	sadd.s32 s1, s30  }
0xc1: {  	s0 =	sor.u32 s3, s0;
	s1 =	sshll.u32 s1, $0x11  }
0xc2: {  	s0 =	sor.u32 s1, s0  }
0xc3: {  	s0 =	sadd.s32 $0x8F2B, s0  }
0xc4: {  	[sflag:s0] =	ssyncadd.remote.s32 $0x1  }
0xc5: {  	_ =	sfence.sel $0xFFFF  }
0xc6: {  	[dreg:$0x0] =	wrdreg $0xFFFFFFFF;
	(pc) =	sbr.abs _section_cstart, $3  }
0xc7: {  	[dreg:$0x1] =	wrdreg $0xFFFFFFFF  }
0xc8: {  	_ =	task.clear_ibuf [dreg:s8], $0x2FFFF;
	_ =	strace $0x9FFFFFFF  }
0xc9: {  	(tm) =	ssettm $0x7FFFFFFF  }
tec
execute0_lowered:
.L_overlay_start_1:
0x0: {  	(tag) =	ssettag $0x1  }
0x1: {  	s6 =	rddreg [dreg:$0x0]  }
0x2: {  	s15 =	rddreg [dreg:$0x1]  }
0x3: {  	s17 =	rddreg [dreg:$0x2]  }
0x4: {  	s0 =	rddreg [dreg:$0x3];
	s1 =	simm.s32 $0x0  }
0x5: {  	s2 =	srdreg.scid;
	s20 =	simm.s32 $0x8000;
	s21 =	simm.s32 $0x1  }
0x6: {  	s22 =	simm.s32 $0x2;
	s23 =	simm.s32 $0x3;
	s24 =	simm.s32 $0x4  }
0x7: {  	s25 =	simm.s32 $0x5;
	s26 =	simm.s32 $0x0;
	[smem:$0x7FF] =	sst s1  }
0x8: {  	s3 =	sadd.s32 $0x3200, s6;
	s4 =	sadd.s32 $0x2A00, s6;
	s7 =	sand.u32 $0x1, s2  }
0x9: {  	s5 =	sadd.s32 $0x2200, s6;
	s2 =	stileid.u32;
	s14 =	sadd.s32 $0x3A00, s6  }
0xa: {  	s8 =	ssub.s32 $0x2, s7;
	s10 =	sshll.u32 s2, $0xD;
	s7 =	sshll.u32 s7, $0xC  }
0xb: {  	_ =	strace $0x80000047;
	s9 =	sshrl.u32 s8, $0x1;
	s12 =	sor.u32 s7, s10  }
0xc: {  	s18 =	ssub.s32 s8, s9;
	s6 =	sadd.s32 s14, s12;
	s7 =	sadd.s32 s15, s12  }
0xd: {  	s13 =	sor.u32 $0x400, s12;
	s16 =	sor.u32 $0x800, s12;
	s10 =	sadd.s32 s17, s12  }
0xe: {  	s19 =	sor.u32 $0xC00, s12;
	s8 =	sadd.s32 s14, s13;
	s9 =	sadd.s32 s15, s13  }
0xf: {  	s11 =	sadd.s32 s14, s16;
	s12 =	sadd.s32 s15, s16;
	s13 =	sadd.s32 s17, s13  }
0x10: {  	s14 =	sadd.s32 s14, s19;
	s15 =	sadd.s32 s15, s19;
	s16 =	sadd.s32 s17, s16  }
0x11: {  	s17 =	sadd.s32 s17, s19;
	s18 =	smax.u32 s18, $0x1;
	s19 =	simm.s32 $0x4000  }
.LBB2_1:
0x12: {  	[tilespmem:s1], [sflag:$0x1] =	stream.linear.gather [hbm4b:s3+s1], $0x4000, $0x38;
	[tilespmem:$0x18000] =	vst v63  }
0x13: {  	s28 =	simm.s32 $0xC000  }
0x14: {  	[tilespmem:s19], [sflag:$0x1] =	stream.linear.gather [hbm4b:s4+s1], $0x4000, $0x38;
	[tilespmem:$0x18000] =	vst v63  }
0x15: {  	s29 =	simm.s32 $0x10;
	s31 =	sadd.s32 $0x0, s6;
	s30 =	simm.s32 $0xC100  }
0x16: {  	[tilespmem:s20], [sflag:$0x1] =	stream.linear.gather [hbm4b:s5+s1], $0x4000, $0x38;
	[tilespmem:$0x18000] =	vst v63  }
.LBB2_2:
0x17: {  	[tilespmem:s28], [sflag:$0x2] =	stream.linear.gather [hbm4b:s31+s1], $0x80, $0x38;
	[tilespmem:$0x18000] =	vst v63  }
0x18: {  	s31 =	smov.u32 s29;
	s28 =	smov.u32 s30;
	p0 =	sne.s32 s29, $0x3F0  }
.Ltmp0:
0x19: {  	s29 =	sadd.s32 $0x10, s29;
	(pc) =	sbr.rel @p0 .LBB2_2-.Ltmp0, $2  }
0x1a: {  	_ =	sdelay $0x2  }
0x1b: {  	s30 =	sadd.s32 $0x100, s30;
	s31 =	sadd.s32 s31, s6  }
0x1c: {  	[tilespmem:s28], [sflag:$0x2] =	stream.linear.gather [hbm4b:s31+s1], $0x80, $0x38;
	[tilespmem:$0x18000] =	vst v63  }
0x1d: {  	s28 =	simm.s32 $0x10000  }
0x1e: {  	s29 =	simm.s32 $0x10;
	s31 =	sadd.s32 $0x0, s7;
	s30 =	simm.s32 $0x10100  }
.LBB2_4:
0x1f: {  	[tilespmem:s28], [sflag:$0x2] =	stream.linear.gather [hbm4b:s31+s1], $0x80, $0x38;
	[tilespmem:$0x18000] =	vst v63  }
0x20: {  	s31 =	smov.u32 s29;
	s28 =	smov.u32 s30;
	p0 =	sne.s32 s29, $0x3F0  }
.Ltmp1:
0x21: {  	s29 =	sadd.s32 $0x10, s29;
	(pc) =	sbr.rel @p0 .LBB2_4-.Ltmp1, $2  }
0x22: {  	_ =	sdelay $0x2  }
0x23: {  	s30 =	sadd.s32 $0x100, s30;
	s31 =	sadd.s32 s31, s7  }
0x24: {  	[tilespmem:s28], [sflag:$0x2] =	stream.linear.gather [hbm4b:s31+s1], $0x80, $0x38;
	[tilespmem:$0x18000] =	vst v63  }
0x25: {  	s28 =	simm.s32 $0xC080  }
0x26: {  	s29 =	simm.s32 $0x10;
	s31 =	sadd.s32 $0x0, s8;
	s30 =	simm.s32 $0xC180  }
.LBB2_6:
0x27: {  	[tilespmem:s28], [sflag:$0x3] =	stream.linear.gather [hbm4b:s31+s1], $0x80, $0x38;
	[tilespmem:$0x18000] =	vst v63  }
0x28: {  	s31 =	smov.u32 s29;
	s28 =	smov.u32 s30;
	p0 =	sne.s32 s29, $0x3F0  }
.Ltmp2:
0x29: {  	s29 =	sadd.s32 $0x10, s29;
	(pc) =	sbr.rel @p0 .LBB2_6-.Ltmp2, $2  }
0x2a: {  	_ =	sdelay $0x2  }
0x2b: {  	s30 =	sadd.s32 $0x100, s30;
	s31 =	sadd.s32 s31, s8  }
0x2c: {  	[tilespmem:s28], [sflag:$0x3] =	stream.linear.gather [hbm4b:s31+s1], $0x80, $0x38;
	[tilespmem:$0x18000] =	vst v63  }
0x2d: {  	s28 =	simm.s32 $0x10080  }
0x2e: {  	s29 =	simm.s32 $0x10;
	s31 =	sadd.s32 $0x0, s9;
	s30 =	simm.s32 $0x10180  }
.LBB2_8:
0x2f: {  	[tilespmem:s28], [sflag:$0x3] =	stream.linear.gather [hbm4b:s31+s1], $0x80, $0x38;
	[tilespmem:$0x18000] =	vst v63  }
0x30: {  	s31 =	smov.u32 s29;
	s28 =	smov.u32 s30;
	p0 =	sne.s32 s29, $0x3F0  }
.Ltmp3:
0x31: {  	s29 =	sadd.s32 $0x10, s29;
	(pc) =	sbr.rel @p0 .LBB2_8-.Ltmp3, $2  }
0x32: {  	_ =	sdelay $0x2  }
0x33: {  	s30 =	sadd.s32 $0x100, s30;
	s31 =	sadd.s32 s31, s9  }
0x34: {  	[tilespmem:s28], [sflag:$0x3] =	stream.linear.gather [hbm4b:s31+s1], $0x80, $0x38;
	[tilespmem:$0x18000] =	vst v63  }
0x35: {  	_ =	swait.ge [sflag:s21], $0x4000  }
0x36: {  	[sflag:s21] =	ssyncset.done $0x0  }
0x37: {  	[sflag:s21] =	ssyncadd.s32 $0xFFFFC000  }
0x38: {  	_ =	swait.ge [sflag:s21], $0x4000  }
0x39: {  	[sflag:s21] =	ssyncset.done $0x0  }
0x3a: {  	[sflag:s21] =	ssyncadd.s32 $0xFFFFC000  }
0x3b: {  	_ =	swait.ge [sflag:s21], $0x4000  }
0x3c: {  	[sflag:s21] =	ssyncset.done $0x0  }
0x3d: {  	[sflag:s21] =	ssyncadd.s32 $0xFFFFC000  }
0x3e: {  	_ =	swait.ge [sflag:s22], $0x2000  }
0x3f: {  	[sflag:s22] =	ssyncset.done $0x0  }
0x40: {  	[sflag:s22] =	ssyncadd.s32 $0xFFFFE000  }
0x41: {  	_ =	swait.ge [sflag:s22], $0x2000  }
0x42: {  	[sflag:s22] =	ssyncset.done $0x0  }
0x43: {  	s29 =	simm.s32 $0xC040;
	[sflag:s22] =	ssyncadd.s32 $0xFFFFE000  }
0x44: {  	s28 =	simm.s32 $0x10040;
	v0 =	vld [tilespmem:s29+$0x30]  }
0x45: {  	v1 =	vld [tilespmem:s28+$0x30]  }
0x46: {  	v2 =	vld [tilespmem:s28+$0xFFFFFFC0]  }
0x47: {  	v3 =	vld [tilespmem:s29+$0xFFFFFFD0]  }
0x48: {  	v4 =	vld [tilespmem:s28+$0xFFFFFFD0]  }
0x49: {  	v5 =	vld [tilespmem:s29+$0xFFFFFFE0]  }
0x4a: {  	v6 =	vld [tilespmem:s28+$0xFFFFFFE0]  }
0x4b: {  	v7 =	vld [tilespmem:s29+$0xFFFFFFF0]  }
0x4c: {  	v12 =	vld [tilespmem:s28+$0xFFFFFFF0]  }
0x4d: {  	v15 =	vld [tilespmem:s29+$0x0]  }
0x4e: {  	v16 =	vld [tilespmem:s28+$0x0]  }
0x4f: {  	v17 =	vld [tilespmem:s29+$0x10]  }
0x50: {  	v18 =	vld [tilespmem:s28+$0x10]  }
0x51: {  	v19 =	vld [tilespmem:s29+$0x20]  }
0x52: {  	v20 =	vld [tilespmem:s28+$0x20]  }
0x53: {  	v13 =	vld [tilespmem:s29+$0xFFFFFFC0]  }
0x54: {  	v8 =	vld.idx.msk [tilespmem:v0+s1+$0x0], $0xffff  }
0x55: {  	v9 =	vld.idx.msk [tilespmem:v1+s1+$0x0], $0xffff  }
0x56: {  	v10 =	vld.idx.msk [tilespmem:v0+s19+$0x0], $0xffff  }
0x57: {  	v11 =	vld.idx.msk [tilespmem:v1+s19+$0x0], $0xffff  }
0x58: {  	v0 =	vld.idx.msk [tilespmem:v0+s20+$0x0], $0xffff  }
0x59: {  	v1 =	vld.idx.msk [tilespmem:v1+s20+$0x0], $0xffff  }
0x5a: {  	v14 =	vld.idx.msk [tilespmem:v2+s1+$0x0], $0xffff  }
0x5b: {  	v21 =	vld.idx.msk [tilespmem:v2+s19+$0x0], $0xffff  }
0x5c: {  	v22 =	vld.idx.msk [tilespmem:v3+s1+$0x0], $0xffff  }
0x5d: {  	v23 =	vld.idx.msk [tilespmem:v4+s1+$0x0], $0xffff  }
0x5e: {  	v24 =	vld.idx.msk [tilespmem:v3+s19+$0x0], $0xffff  }
0x5f: {  	v25 =	vld.idx.msk [tilespmem:v4+s19+$0x0], $0xffff  }
0x60: {  	v26 =	vld.idx.msk [tilespmem:v5+s1+$0x0], $0xffff  }
0x61: {  	v27 =	vld.idx.msk [tilespmem:v13+s1+$0x0], $0xffff  }
0x62: {  	v28 =	vld.idx.msk [tilespmem:v13+s19+$0x0], $0xffff  }
0x63: {  	v29 =	vld.idx.msk [tilespmem:v6+s1+$0x0], $0xffff  }
0x64: {  	v30 =	vld.idx.msk [tilespmem:v5+s19+$0x0], $0xffff  }
0x65: {  	v31 =	vld.idx.msk [tilespmem:v6+s19+$0x0], $0xffff  }
0x66: {  	v32 =	vld.idx.msk [tilespmem:v7+s1+$0x0], $0xffff  }
0x67: {  	v33 =	vld.idx.msk [tilespmem:v12+s1+$0x0], $0xffff  }
0x68: {  	v34 =	vld.idx.msk [tilespmem:v7+s19+$0x0], $0xffff  }
0x69: {  	v35 =	vld.idx.msk [tilespmem:v12+s19+$0x0], $0xffff  }
0x6a: {  	v36 =	vld.idx.msk [tilespmem:v15+s1+$0x0], $0xffff  }
0x6b: {  	v37 =	vld.idx.msk [tilespmem:v16+s1+$0x0], $0xffff  }
0x6c: {  	v38 =	vld.idx.msk [tilespmem:v18+s1+$0x0], $0xffff  }
0x6d: {  	v39 =	vld.idx.msk [tilespmem:v18+s19+$0x0], $0xffff  }
0x6e: {  	v53 =	vld.idx.msk [tilespmem:v20+s1+$0x0], $0xffff  }
0x6f: {  	v54 =	vld.idx.msk [tilespmem:v19+s19+$0x0], $0xffff  }
0x70: {  	v57 =	vld.idx.msk [tilespmem:v20+s19+$0x0], $0xffff;
	v8 =	vsub.f32 v8, v9;
	v9 =	vsub.f32 v10, v11  }
0x71: {  	v59 =	vld.idx.msk [tilespmem:v13+s20+$0x0], $0xffff  }
0x72: {  	v2 =	vld.idx.msk [tilespmem:v2+s20+$0x0], $0xffff;
	v0 =	vsub.f32 v0, v1;
	v1 =	vmul.f32 v8, v8;
	v8 =	vmul.f32 v9, v9  }
0x73: {  	v3 =	vld.idx.msk [tilespmem:v3+s20+$0x0], $0xffff;
	v52 =	vsub.f32 v24, v25  }
0x74: {  	v4 =	vld.idx.msk [tilespmem:v4+s20+$0x0], $0xffff;
	v14 =	vsub.f32 v27, v14;
	v0 =	vmul.f32 v0, v0;
	v1 =	vadd.f32 v8, v1  }
0x75: {  	v10 =	vld.idx.msk [tilespmem:v15+s19+$0x0], $0xffff;
	v21 =	vsub.f32 v28, v21;
	v55 =	vsub.f32 v26, v29  }
0x76: {  	v11 =	vld.idx.msk [tilespmem:v16+s19+$0x0], $0xffff;
	v40 =	vadd.f32 v0, v1;
	v1 =	vsub.f32 v22, v23  }
0x77: {  	v56 =	vsub.f32 v30, v31;
	v58 =	vsub.f32 v32, v33;
	v9 =	vld.idx.msk [tilespmem:v17+s1+$0x0], $0xffff  }
0x78: {  	v13 =	vsub.f32 v34, v35;
	v8 =	vld.idx.msk [tilespmem:v17+s19+$0x0], $0xffff;
	v22 =	vmul.f32 v52, v52;
	v1 =	vmul.f32 v1, v1  }
0x79: {  	v62 =	vsub.f32 v54, v57;
	v14 =	vmul.f32 v14, v14;
	v21 =	vmul.f32 v21, v21;
	v0 =	vld.idx.msk [tilespmem:v19+s1+$0x0], $0xffff  }
0x7a: {  	v5 =	vld.idx.msk [tilespmem:v5+s20+$0x0], $0xffff;
	v60 =	vmul.f32 v56, v56;
	v22 =	vadd.f32 v22, v1;
	v1 =	vmul.f32 v55, v55  }
0x7b: {  	v6 =	vld.idx.msk [tilespmem:v6+s20+$0x0], $0xffff;
	v2 =	vsub.f32 v59, v2;
	v21 =	vadd.f32 v21, v14  }
0x7c: {  	v61 =	vmul.f32 v13, v13;
	v13 =	vadd.f32 v60, v1;
	v1 =	vsub.f32 v36, v37  }
0x7d: {  	v12 =	vld.idx.msk [tilespmem:v12+s20+$0x0], $0xffff;
	v14 =	vmul.f32 v58, v58;
	v10 =	vsub.f32 v10, v11;
	v9 =	vsub.f32 v9, v38  }
0x7e: {  	v11 =	vld.idx.msk [tilespmem:v7+s20+$0x0], $0xffff;
	v8 =	vsub.f32 v8, v39;
	v7 =	vmul.f32 v1, v1;
	v1 =	vsub.f32 v0, v53  }
0x7f: {  	v3 =	vsub.f32 v3, v4;
	v10 =	vmul.f32 v10, v10;
	v9 =	vmul.f32 v9, v9;
	v0 =	vld.idx.msk [tilespmem:v15+s20+$0x0], $0xffff  }
0x80: {  	v5 =	vsub.f32 v5, v6;
	v8 =	vmul.f32 v8, v8;
	v63 =	vmul.f32 v1, v1;
	v1 =	vld.idx.msk [tilespmem:v16+s20+$0x0], $0xffff  }
0x81: {  	v4 =	vmul.f32 v62, v62;
	v15 =	vadd.f32 v10, v7;
	v7 =	vmul.f32 v2, v2;
	v2 =	vld.idx.msk [tilespmem:v17+s20+$0x0], $0xffff  }
0x82: {  	s29 =	simm.s32 $0x14040;
	v14 =	vadd.f32 v61, v14;
	v16 =	vadd.f32 v8, v9;
	v8 =	vmul.f32 v3, v3;
	v3 =	vld.idx.msk [tilespmem:v18+s20+$0x0], $0xffff  }
0x83: {  	[tilespmem:s29+$0x30] =	vst v40;
	v10 =	vadd.f32 v4, v63;
	v9 =	vadd.f32 v7, v21;
	v4 =	vld.idx.msk [tilespmem:v19+s20+$0x0], $0xffff  }
0x84: {  	s30 =	simm.s32 $0x0;
	s31 =	simm.s32 $0xC140;
	v11 =	vsub.f32 v11, v12;
	v6 =	vadd.f32 v8, v22;
	v7 =	vmul.f32 v5, v5;
	v5 =	vld.idx.msk [tilespmem:v20+s20+$0x0], $0xffff  }
.LBB2_10:
0x85: {  	v8 =	vld [tilespmem:s31+$0x30];
	[tilespmem:s29+$0xFFFFFFC0] =	vst v9;
	s28 =	sadd.s32 $0x100, s28  }
0x86: {  	v9 =	vld [tilespmem:s28+$0x30];
	[tilespmem:s29+$0xFFFFFFD0] =	vst v6;
	v6 =	vadd.f32 v7, v13;
	v7 =	vmul.f32 v11, v11;
	v11 =	vsub.f32 v0, v1  }
0x87: {  	v1 =	vld [tilespmem:s28+$0xFFFFFFC0]  }
0x88: {  	s30 =	sadd.s32 $0x8, s30;
	v0 =	vld [tilespmem:s31+$0xFFFFFFD0];
	[tilespmem:s29+$0xFFFFFFE0] =	vst v6;
	v6 =	vadd.f32 v7, v14;
	v7 =	vmul.f32 v11, v11;
	v11 =	vsub.f32 v2, v3  }
0x89: {  	p0 =	slt.u32 s30, $0x1F8;
	v3 =	vld [tilespmem:s28+$0xFFFFFFD0]  }
0x8a: {  	v2 =	vld [tilespmem:s31+$0xFFFFFFE0];
	[tilespmem:s29+$0xFFFFFFF0] =	vst v6;
	v6 =	vadd.f32 v7, v15;
	v7 =	vmul.f32 v11, v11;
	v11 =	vsub.f32 v4, v5  }
0x8b: {  	v5 =	vld [tilespmem:s28+$0xFFFFFFE0]  }
0x8c: {  	v4 =	vld [tilespmem:s31+$0xFFFFFFF0];
	[tilespmem:s29+$0x0] =	vst v6;
	v6 =	vadd.f32 v7, v16;
	v7 =	vmul.f32 v11, v11  }
0x8d: {  	v13 =	vld.idx.msk [tilespmem:v8+s1+$0x0], $0xffff  }
0x8e: {  	v14 =	vld.idx.msk [tilespmem:v9+s1+$0x0], $0xffff;
	[tilespmem:s29+$0x10] =	vst v6;
	v6 =	vadd.f32 v7, v10  }
0x8f: {  	v7 =	vld.idx.msk [tilespmem:v8+s19+$0x0], $0xffff  }
0x90: {  	v15 =	vld.idx.msk [tilespmem:v9+s19+$0x0], $0xffff;
	[tilespmem:s29+$0x20] =	vst v6  }
0x91: {  	v8 =	vld.idx.msk [tilespmem:v8+s20+$0x0], $0xffff  }
0x92: {  	v16 =	vld.idx.msk [tilespmem:v9+s20+$0x0], $0xffff  }
0x93: {  	v12 =	vld [tilespmem:s28+$0xFFFFFFF0]  }
0x94: {  	v11 =	vld [tilespmem:s31+$0x0]  }
0x95: {  	v10 =	vld [tilespmem:s28+$0x0]  }
0x96: {  	v13 =	vsub.f32 v13, v14;
	v14 =	vsub.f32 v7, v15;
	v9 =	vld [tilespmem:s31+$0x10]  }
0x97: {  	v6 =	vld [tilespmem:s28+$0x10]  }
0x98: {  	v13 =	vmul.f32 v13, v13;
	v15 =	vsub.f32 v8, v16;
	v14 =	vmul.f32 v14, v14;
	v7 =	vld [tilespmem:s31+$0x20]  }
0x99: {  	v8 =	vld [tilespmem:s28+$0x20]  }
0x9a: {  	v13 =	vadd.f32 v14, v13;
	v14 =	vmul.f32 v15, v15;
	v16 =	vld [tilespmem:s31+$0xFFFFFFC0]  }
0x9b: {  	v15 =	vld.idx.msk [tilespmem:v1+s1+$0x0], $0xffff  }
0x9c: {  	v13 =	vadd.f32 v14, v13;
	v17 =	vld.idx.msk [tilespmem:v1+s19+$0x0], $0xffff  }
0x9d: {  	s29 =	sadd.s32 $0x100, s29;
	v14 =	vld.idx.msk [tilespmem:v0+s1+$0x0], $0xffff  }
0x9e: {  	v18 =	vld.idx.msk [tilespmem:v3+s1+$0x0], $0xffff;
	[tilespmem:s29+$0x30] =	vst v13  }
0x9f: {  	v13 =	vld.idx.msk [tilespmem:v0+s19+$0x0], $0xffff  }
0xa0: {  	v19 =	vld.idx.msk [tilespmem:v3+s19+$0x0], $0xffff  }
0xa1: {  	v20 =	vld.idx.msk [tilespmem:v2+s1+$0x0], $0xffff  }
0xa2: {  	v21 =	vld.idx.msk [tilespmem:v16+s1+$0x0], $0xffff  }
0xa3: {  	v22 =	vld.idx.msk [tilespmem:v16+s19+$0x0], $0xffff  }
0xa4: {  	v14 =	vsub.f32 v14, v18;
	v18 =	vld.idx.msk [tilespmem:v5+s1+$0x0], $0xffff  }
0xa5: {  	v23 =	vld.idx.msk [tilespmem:v2+s19+$0x0], $0xffff  }
0xa6: {  	v13 =	vsub.f32 v13, v19;
	v14 =	vmul.f32 v14, v14;
	v19 =	vld.idx.msk [tilespmem:v5+s19+$0x0], $0xffff  }
0xa7: {  	v24 =	vld.idx.msk [tilespmem:v4+s1+$0x0], $0xffff  }
0xa8: {  	v15 =	vsub.f32 v21, v15;
	v13 =	vmul.f32 v13, v13;
	v21 =	vld.idx.msk [tilespmem:v12+s1+$0x0], $0xffff  }
0xa9: {  	v17 =	vsub.f32 v22, v17;
	v22 =	vld.idx.msk [tilespmem:v4+s19+$0x0], $0xffff  }
0xaa: {  	v15 =	vmul.f32 v15, v15;
	v25 =	vadd.f32 v13, v14;
	v13 =	vsub.f32 v20, v18;
	v14 =	vld.idx.msk [tilespmem:v12+s19+$0x0], $0xffff  }
0xab: {  	v17 =	vmul.f32 v17, v17;
	v18 =	vld.idx.msk [tilespmem:v11+s1+$0x0], $0xffff  }
0xac: {  	v19 =	vsub.f32 v23, v19;
	v13 =	vmul.f32 v13, v13;
	v20 =	vld.idx.msk [tilespmem:v10+s1+$0x0], $0xffff  }
0xad: {  	v17 =	vadd.f32 v17, v15;
	v15 =	vld.idx.msk [tilespmem:v11+s19+$0x0], $0xffff  }
0xae: {  	v19 =	vmul.f32 v19, v19;
	v21 =	vsub.f32 v24, v21;
	v23 =	vld.idx.msk [tilespmem:v10+s19+$0x0], $0xffff  }
0xaf: {  	v24 =	vld.idx.msk [tilespmem:v9+s1+$0x0], $0xffff  }
0xb0: {  	v13 =	vadd.f32 v19, v13;
	v14 =	vsub.f32 v22, v14;
	v19 =	vmul.f32 v21, v21;
	v21 =	vld.idx.msk [tilespmem:v6+s1+$0x0], $0xffff  }
0xb1: {  	v22 =	vld.idx.msk [tilespmem:v9+s19+$0x0], $0xffff  }
0xb2: {  	v14 =	vmul.f32 v14, v14;
	v18 =	vsub.f32 v18, v20;
	v20 =	vld.idx.msk [tilespmem:v6+s19+$0x0], $0xffff  }
0xb3: {  	v26 =	vld.idx.msk [tilespmem:v7+s1+$0x0], $0xffff  }
0xb4: {  	v14 =	vadd.f32 v14, v19;
	v15 =	vsub.f32 v15, v23;
	v18 =	vmul.f32 v18, v18;
	v19 =	vld.idx.msk [tilespmem:v8+s1+$0x0], $0xffff  }
0xb5: {  	v23 =	vld.idx.msk [tilespmem:v7+s19+$0x0], $0xffff  }
0xb6: {  	v15 =	vmul.f32 v15, v15;
	v21 =	vsub.f32 v24, v21;
	v24 =	vld.idx.msk [tilespmem:v8+s19+$0x0], $0xffff  }
0xb7: {  	v27 =	vld.idx.msk [tilespmem:v16+s20+$0x0], $0xffff  }
0xb8: {  	v15 =	vadd.f32 v15, v18;
	v16 =	vsub.f32 v22, v20;
	v18 =	vmul.f32 v21, v21;
	v1 =	vld.idx.msk [tilespmem:v1+s20+$0x0], $0xffff  }
0xb9: {  	v20 =	vld.idx.msk [tilespmem:v0+s20+$0x0], $0xffff  }
0xba: {  	v0 =	vmul.f32 v16, v16;
	v19 =	vsub.f32 v26, v19;
	v3 =	vld.idx.msk [tilespmem:v3+s20+$0x0], $0xffff  }
0xbb: {  	v21 =	vld.idx.msk [tilespmem:v2+s20+$0x0], $0xffff  }
0xbc: {  	v16 =	vadd.f32 v0, v18;
	v0 =	vsub.f32 v23, v24;
	v2 =	vmul.f32 v19, v19;
	v5 =	vld.idx.msk [tilespmem:v5+s20+$0x0], $0xffff  }
0xbd: {  	v18 =	vld.idx.msk [tilespmem:v4+s20+$0x0], $0xffff  }
0xbe: {  	v1 =	vsub.f32 v27, v1;
	v4 =	vmul.f32 v0, v0;
	v12 =	vld.idx.msk [tilespmem:v12+s20+$0x0], $0xffff  }
0xbf: {  	v0 =	vld.idx.msk [tilespmem:v11+s20+$0x0], $0xffff  }
.Ltmp4:
0xc0: {  	v11 =	vmul.f32 v1, v1;
	v3 =	vsub.f32 v20, v3;
	v1 =	vld.idx.msk [tilespmem:v10+s20+$0x0], $0xffff;
	v10 =	vadd.f32 v4, v2;
	(pc) =	sbr.rel @p0 .LBB2_10-.Ltmp4, $4  }
0xc1: {  	v2 =	vld.idx.msk [tilespmem:v9+s20+$0x0], $0xffff  }
0xc2: {  	v9 =	vadd.f32 v11, v17;
	v11 =	vmul.f32 v3, v3;
	v5 =	vsub.f32 v21, v5;
	v3 =	vld.idx.msk [tilespmem:v6+s20+$0x0], $0xffff  }
0xc3: {  	v4 =	vld.idx.msk [tilespmem:v7+s20+$0x0], $0xffff  }
0xc4: {  	s31 =	sadd.s32 $0x100, s31;
	v6 =	vadd.f32 v11, v25;
	v7 =	vmul.f32 v5, v5;
	v11 =	vsub.f32 v18, v12;
	v5 =	vld.idx.msk [tilespmem:v8+s20+$0x0], $0xffff  }
0xc5: {  	_ =	sdelay $0x1  }
0xc6: {  	v0 =	vsub.f32 v0, v1  }
0xc7: {  	v59 =	vmul.f32 v11, v11;
	v2 =	vsub.f32 v2, v3  }
0xc8: {  	[tilespmem:s29+$0xFFFFFFC0] =	vst v9;
	v60 =	vadd.f32 v7, v13;
	v0 =	vmul.f32 v0, v0;
	v4 =	vsub.f32 v4, v5  }
0xc9: {  	[tilespmem:s29+$0xFFFFFFD0] =	vst v6;
	v1 =	vadd.f32 v59, v14;
	v2 =	vmul.f32 v2, v2  }
0xca: {  	[tilespmem:s29+$0xFFFFFFE0] =	vst v60;
	v0 =	vadd.f32 v0, v15;
	v61 =	vmul.f32 v4, v4  }
0xcb: {  	[tilespmem:s29+$0xFFFFFFF0] =	vst v1;
	v62 =	vadd.f32 v2, v16  }
0xcc: {  	[tilespmem:s29+$0x0] =	vst v0;
	v63 =	vadd.f32 v61, v10  }
0xcd: {  	s28 =	simm.s32 $0x14000;
	[tilespmem:s29+$0x10] =	vst v62  }
0xce: {  	s31 =	sadd.s32 $0x0, s10;
	s30 =	simm.s32 $0x14100;
	[tilespmem:s29+$0x20] =	vst v63;
	s29 =	simm.s32 $0x10  }
.LBB2_12:
0xcf: {  	[hbm4b:s31+s1] =	stream.linear.scatter [tilespmem:s28], [sflag:$0x4], $0x80, $0x38;
	[tilespmem:$0x18000] =	vst v63  }
0xd0: {  	s31 =	smov.u32 s29;
	s28 =	smov.u32 s30;
	p0 =	sne.s32 s29, $0x3F0  }
.Ltmp5:
0xd1: {  	s29 =	sadd.s32 $0x10, s29;
	(pc) =	sbr.rel @p0 .LBB2_12-.Ltmp5, $2  }
0xd2: {  	_ =	sdelay $0x2  }
0xd3: {  	s30 =	sadd.s32 $0x100, s30;
	s31 =	sadd.s32 s31, s10  }
0xd4: {  	[hbm4b:s31+s1] =	stream.linear.scatter [tilespmem:s28], [sflag:$0x4], $0x80, $0x38;
	[tilespmem:$0x18000] =	vst v63  }
0xd5: {  	s28 =	simm.s32 $0xC000  }
0xd6: {  	s29 =	simm.s32 $0x10;
	s31 =	sadd.s32 $0x0, s11;
	s30 =	simm.s32 $0xC100  }
.LBB2_14:
0xd7: {  	[tilespmem:s28], [sflag:$0x2] =	stream.linear.gather [hbm4b:s31+s1], $0x80, $0x38;
	[tilespmem:$0x18000] =	vst v63  }
0xd8: {  	s31 =	smov.u32 s29;
	s28 =	smov.u32 s30;
	p0 =	sne.s32 s29, $0x3F0  }
.Ltmp6:
0xd9: {  	s29 =	sadd.s32 $0x10, s29;
	(pc) =	sbr.rel @p0 .LBB2_14-.Ltmp6, $2  }
0xda: {  	_ =	sdelay $0x2  }
0xdb: {  	s30 =	sadd.s32 $0x100, s30;
	s31 =	sadd.s32 s31, s11  }
0xdc: {  	[tilespmem:s28], [sflag:$0x2] =	stream.linear.gather [hbm4b:s31+s1], $0x80, $0x38;
	[tilespmem:$0x18000] =	vst v63  }
0xdd: {  	s28 =	simm.s32 $0x10000  }
0xde: {  	s29 =	simm.s32 $0x10;
	s31 =	sadd.s32 $0x0, s12;
	s30 =	simm.s32 $0x10100  }
.LBB2_16:
0xdf: {  	[tilespmem:s28], [sflag:$0x2] =	stream.linear.gather [hbm4b:s31+s1], $0x80, $0x38;
	[tilespmem:$0x18000] =	vst v63  }
0xe0: {  	s31 =	smov.u32 s29;
	s28 =	smov.u32 s30;
	p0 =	sne.s32 s29, $0x3F0  }
.Ltmp7:
0xe1: {  	s29 =	sadd.s32 $0x10, s29;
	(pc) =	sbr.rel @p0 .LBB2_16-.Ltmp7, $2  }
0xe2: {  	_ =	sdelay $0x2  }
0xe3: {  	s30 =	sadd.s32 $0x100, s30;
	s31 =	sadd.s32 s31, s12  }
0xe4: {  	[tilespmem:s28], [sflag:$0x2] =	stream.linear.gather [hbm4b:s31+s1], $0x80, $0x38;
	[tilespmem:$0x18000] =	vst v63  }
0xe5: {  	_ =	swait.ge [sflag:s23], $0x2000  }
0xe6: {  	[sflag:s23] =	ssyncset.done $0x0  }
0xe7: {  	[sflag:s23] =	ssyncadd.s32 $0xFFFFE000  }
0xe8: {  	_ =	swait.ge [sflag:s23], $0x2000  }
0xe9: {  	[sflag:s23] =	ssyncset.done $0x0  }
0xea: {  	s29 =	simm.s32 $0xC0F0;
	[sflag:s23] =	ssyncadd.s32 $0xFFFFE000  }
0xeb: {  	s28 =	simm.s32 $0x100F0;
	v0 =	vld [tilespmem:s29+$0x0]  }
0xec: {  	v1 =	vld [tilespmem:s28+$0x0]  }
0xed: {  	v2 =	vld [tilespmem:s28+$0xFFFFFF90]  }
0xee: {  	v3 =	vld [tilespmem:s29+$0xFFFFFFA0]  }
0xef: {  	v4 =	vld [tilespmem:s28+$0xFFFFFFA0]  }
0xf0: {  	v5 =	vld [tilespmem:s29+$0xFFFFFFB0]  }
0xf1: {  	v6 =	vld [tilespmem:s28+$0xFFFFFFB0]  }
0xf2: {  	v7 =	vld [tilespmem:s29+$0xFFFFFFC0]  }
0xf3: {  	v12 =	vld [tilespmem:s28+$0xFFFFFFC0]  }
0xf4: {  	v15 =	vld [tilespmem:s29+$0xFFFFFFD0]  }
0xf5: {  	v16 =	vld [tilespmem:s28+$0xFFFFFFD0]  }
0xf6: {  	v17 =	vld [tilespmem:s29+$0xFFFFFFE0]  }
0xf7: {  	v18 =	vld [tilespmem:s28+$0xFFFFFFE0]  }
0xf8: {  	v19 =	vld [tilespmem:s29+$0xFFFFFFF0]  }
0xf9: {  	v20 =	vld [tilespmem:s28+$0xFFFFFFF0]  }
0xfa: {  	v13 =	vld [tilespmem:s29+$0xFFFFFF90]  }
0xfb: {  	v8 =	vld.idx.msk [tilespmem:v0+s1+$0x0], $0xffff  }
0xfc: {  	v9 =	vld.idx.msk [tilespmem:v1+s1+$0x0], $0xffff  }
0xfd: {  	v10 =	vld.idx.msk [tilespmem:v0+s19+$0x0], $0xffff  }
0xfe: {  	v11 =	vld.idx.msk [tilespmem:v1+s19+$0x0], $0xffff  }
0xff: {  	v0 =	vld.idx.msk [tilespmem:v0+s20+$0x0], $0xffff  }
0x100: {  	v1 =	vld.idx.msk [tilespmem:v1+s20+$0x0], $0xffff  }
0x101: {  	v14 =	vld.idx.msk [tilespmem:v2+s1+$0x0], $0xffff  }
0x102: {  	v21 =	vld.idx.msk [tilespmem:v2+s19+$0x0], $0xffff  }
0x103: {  	v22 =	vld.idx.msk [tilespmem:v3+s1+$0x0], $0xffff  }
0x104: {  	v23 =	vld.idx.msk [tilespmem:v4+s1+$0x0], $0xffff  }
0x105: {  	v24 =	vld.idx.msk [tilespmem:v3+s19+$0x0], $0xffff  }
0x106: {  	v25 =	vld.idx.msk [tilespmem:v4+s19+$0x0], $0xffff  }
0x107: {  	v26 =	vld.idx.msk [tilespmem:v5+s1+$0x0], $0xffff  }
0x108: {  	v27 =	vld.idx.msk [tilespmem:v13+s1+$0x0], $0xffff  }
0x109: {  	v28 =	vld.idx.msk [tilespmem:v13+s19+$0x0], $0xffff  }
0x10a: {  	v29 =	vld.idx.msk [tilespmem:v6+s1+$0x0], $0xffff  }
0x10b: {  	v30 =	vld.idx.msk [tilespmem:v5+s19+$0x0], $0xffff  }
0x10c: {  	v31 =	vld.idx.msk [tilespmem:v6+s19+$0x0], $0xffff  }
0x10d: {  	v32 =	vld.idx.msk [tilespmem:v7+s1+$0x0], $0xffff  }
0x10e: {  	v33 =	vld.idx.msk [tilespmem:v12+s1+$0x0], $0xffff  }
0x10f: {  	v34 =	vld.idx.msk [tilespmem:v7+s19+$0x0], $0xffff  }
0x110: {  	v35 =	vld.idx.msk [tilespmem:v12+s19+$0x0], $0xffff  }
0x111: {  	v36 =	vld.idx.msk [tilespmem:v15+s1+$0x0], $0xffff  }
0x112: {  	v37 =	vld.idx.msk [tilespmem:v16+s1+$0x0], $0xffff  }
0x113: {  	v38 =	vld.idx.msk [tilespmem:v18+s1+$0x0], $0xffff  }
0x114: {  	v39 =	vld.idx.msk [tilespmem:v18+s19+$0x0], $0xffff  }
0x115: {  	v53 =	vld.idx.msk [tilespmem:v20+s1+$0x0], $0xffff  }
0x116: {  	v54 =	vld.idx.msk [tilespmem:v19+s19+$0x0], $0xffff  }
0x117: {  	v57 =	vld.idx.msk [tilespmem:v20+s19+$0x0], $0xffff;
	v8 =	vsub.f32 v8, v9;
	v9 =	vsub.f32 v10, v11  }
0x118: {  	v59 =	vld.idx.msk [tilespmem:v13+s20+$0x0], $0xffff  }
0x119: {  	v2 =	vld.idx.msk [tilespmem:v2+s20+$0x0], $0xffff;
	v0 =	vsub.f32 v0, v1;
	v1 =	vmul.f32 v8, v8;
	v8 =	vmul.f32 v9, v9  }
0x11a: {  	v3 =	vld.idx.msk [tilespmem:v3+s20+$0x0], $0xffff;
	v52 =	vsub.f32 v24, v25  }
0x11b: {  	v4 =	vld.idx.msk [tilespmem:v4+s20+$0x0], $0xffff;
	v14 =	vsub.f32 v27, v14;
	v0 =	vmul.f32 v0, v0;
	v1 =	vadd.f32 v8, v1  }
0x11c: {  	v10 =	vld.idx.msk [tilespmem:v15+s19+$0x0], $0xffff;
	v21 =	vsub.f32 v28, v21;
	v55 =	vsub.f32 v26, v29  }
0x11d: {  	v11 =	vld.idx.msk [tilespmem:v16+s19+$0x0], $0xffff;
	v40 =	vadd.f32 v0, v1;
	v1 =	vsub.f32 v22, v23  }
0x11e: {  	v56 =	vsub.f32 v30, v31;
	v58 =	vsub.f32 v32, v33;
	v9 =	vld.idx.msk [tilespmem:v17+s1+$0x0], $0xffff  }
0x11f: {  	v13 =	vsub.f32 v34, v35;
	v8 =	vld.idx.msk [tilespmem:v17+s19+$0x0], $0xffff;
	v22 =	vmul.f32 v52, v52;
	v1 =	vmul.f32 v1, v1  }
0x120: {  	v62 =	vsub.f32 v54, v57;
	v14 =	vmul.f32 v14, v14;
	v21 =	vmul.f32 v21, v21;
	v0 =	vld.idx.msk [tilespmem:v19+s1+$0x0], $0xffff  }
0x121: {  	v5 =	vld.idx.msk [tilespmem:v5+s20+$0x0], $0xffff;
	v60 =	vmul.f32 v56, v56;
	v22 =	vadd.f32 v22, v1;
	v1 =	vmul.f32 v55, v55  }
0x122: {  	v6 =	vld.idx.msk [tilespmem:v6+s20+$0x0], $0xffff;
	v2 =	vsub.f32 v59, v2;
	v21 =	vadd.f32 v21, v14  }
0x123: {  	v61 =	vmul.f32 v13, v13;
	v13 =	vadd.f32 v60, v1;
	v1 =	vsub.f32 v36, v37  }
0x124: {  	v12 =	vld.idx.msk [tilespmem:v12+s20+$0x0], $0xffff;
	v14 =	vmul.f32 v58, v58;
	v10 =	vsub.f32 v10, v11;
	v9 =	vsub.f32 v9, v38  }
0x125: {  	v11 =	vld.idx.msk [tilespmem:v7+s20+$0x0], $0xffff;
	v8 =	vsub.f32 v8, v39;
	v7 =	vmul.f32 v1, v1;
	v1 =	vsub.f32 v0, v53  }
0x126: {  	v3 =	vsub.f32 v3, v4;
	v10 =	vmul.f32 v10, v10;
	v9 =	vmul.f32 v9, v9;
	v0 =	vld.idx.msk [tilespmem:v15+s20+$0x0], $0xffff  }
0x127: {  	v5 =	vsub.f32 v5, v6;
	v8 =	vmul.f32 v8, v8;
	v63 =	vmul.f32 v1, v1;
	v1 =	vld.idx.msk [tilespmem:v16+s20+$0x0], $0xffff  }
0x128: {  	v4 =	vmul.f32 v62, v62;
	v15 =	vadd.f32 v10, v7;
	v7 =	vmul.f32 v2, v2;
	v2 =	vld.idx.msk [tilespmem:v17+s20+$0x0], $0xffff  }
0x129: {  	s29 =	simm.s32 $0x140F0;
	v14 =	vadd.f32 v61, v14;
	v16 =	vadd.f32 v8, v9;
	v8 =	vmul.f32 v3, v3;
	v3 =	vld.idx.msk [tilespmem:v18+s20+$0x0], $0xffff  }
0x12a: {  	[tilespmem:s29+$0x0] =	vst v40;
	v10 =	vadd.f32 v4, v63;
	v9 =	vadd.f32 v7, v21;
	v4 =	vld.idx.msk [tilespmem:v19+s20+$0x0], $0xffff  }
0x12b: {  	s30 =	simm.s32 $0x0;
	s31 =	simm.s32 $0xC1F0;
	v11 =	vsub.f32 v11, v12;
	v6 =	vadd.f32 v8, v22;
	v7 =	vmul.f32 v5, v5;
	v5 =	vld.idx.msk [tilespmem:v20+s20+$0x0], $0xffff  }
.LBB2_18:
0x12c: {  	v8 =	vld [tilespmem:s31+$0x0];
	[tilespmem:s29+$0xFFFFFF90] =	vst v9;
	s28 =	sadd.s32 $0x100, s28  }
0x12d: {  	v9 =	vld [tilespmem:s28+$0x0];
	[tilespmem:s29+$0xFFFFFFA0] =	vst v6;
	v6 =	vadd.f32 v7, v13;
	v7 =	vmul.f32 v11, v11;
	v11 =	vsub.f32 v0, v1  }
0x12e: {  	v1 =	vld [tilespmem:s28+$0xFFFFFF90]  }
0x12f: {  	s30 =	sadd.s32 $0x8, s30;
	v0 =	vld [tilespmem:s31+$0xFFFFFFA0];
	[tilespmem:s29+$0xFFFFFFB0] =	vst v6;
	v6 =	vadd.f32 v7, v14;
	v7 =	vmul.f32 v11, v11;
	v11 =	vsub.f32 v2, v3  }
0x130: {  	p0 =	slt.u32 s30, $0x1F8;
	v3 =	vld [tilespmem:s28+$0xFFFFFFA0]  }
0x131: {  	v2 =	vld [tilespmem:s31+$0xFFFFFFB0];
	[tilespmem:s29+$0xFFFFFFC0] =	vst v6;
	v6 =	vadd.f32 v7, v15;
	v7 =	vmul.f32 v11, v11;
	v11 =	vsub.f32 v4, v5  }
0x132: {  	v5 =	vld [tilespmem:s28+$0xFFFFFFB0]  }
0x133: {  	v4 =	vld [tilespmem:s31+$0xFFFFFFC0];
	[tilespmem:s29+$0xFFFFFFD0] =	vst v6;
	v6 =	vadd.f32 v7, v16;
	v7 =	vmul.f32 v11, v11  }
0x134: {  	v13 =	vld.idx.msk [tilespmem:v8+s1+$0x0], $0xffff  }
0x135: {  	v14 =	vld.idx.msk [tilespmem:v9+s1+$0x0], $0xffff;
	[tilespmem:s29+$0xFFFFFFE0] =	vst v6;
	v6 =	vadd.f32 v7, v10  }
0x136: {  	v7 =	vld.idx.msk [tilespmem:v8+s19+$0x0], $0xffff  }
0x137: {  	v15 =	vld.idx.msk [tilespmem:v9+s19+$0x0], $0xffff;
	[tilespmem:s29+$0xFFFFFFF0] =	vst v6  }
0x138: {  	v8 =	vld.idx.msk [tilespmem:v8+s20+$0x0], $0xffff  }
0x139: {  	v16 =	vld.idx.msk [tilespmem:v9+s20+$0x0], $0xffff  }
0x13a: {  	v12 =	vld [tilespmem:s28+$0xFFFFFFC0]  }
0x13b: {  	v11 =	vld [tilespmem:s31+$0xFFFFFFD0]  }
0x13c: {  	v10 =	vld [tilespmem:s28+$0xFFFFFFD0]  }
0x13d: {  	v13 =	vsub.f32 v13, v14;
	v14 =	vsub.f32 v7, v15;
	v9 =	vld [tilespmem:s31+$0xFFFFFFE0]  }
0x13e: {  	v6 =	vld [tilespmem:s28+$0xFFFFFFE0]  }
0x13f: {  	v13 =	vmul.f32 v13, v13;
	v15 =	vsub.f32 v8, v16;
	v14 =	vmul.f32 v14, v14;
	v7 =	vld [tilespmem:s31+$0xFFFFFFF0]  }
0x140: {  	v8 =	vld [tilespmem:s28+$0xFFFFFFF0]  }
0x141: {  	v13 =	vadd.f32 v14, v13;
	v14 =	vmul.f32 v15, v15;
	v16 =	vld [tilespmem:s31+$0xFFFFFF90]  }
0x142: {  	v15 =	vld.idx.msk [tilespmem:v1+s1+$0x0], $0xffff  }
0x143: {  	v13 =	vadd.f32 v14, v13;
	v17 =	vld.idx.msk [tilespmem:v1+s19+$0x0], $0xffff  }
0x144: {  	s29 =	sadd.s32 $0x100, s29;
	v14 =	vld.idx.msk [tilespmem:v0+s1+$0x0], $0xffff  }
0x145: {  	v18 =	vld.idx.msk [tilespmem:v3+s1+$0x0], $0xffff;
	[tilespmem:s29+$0x0] =	vst v13  }
0x146: {  	v13 =	vld.idx.msk [tilespmem:v0+s19+$0x0], $0xffff  }
0x147: {  	v19 =	vld.idx.msk [tilespmem:v3+s19+$0x0], $0xffff  }
0x148: {  	v20 =	vld.idx.msk [tilespmem:v2+s1+$0x0], $0xffff  }
0x149: {  	v21 =	vld.idx.msk [tilespmem:v16+s1+$0x0], $0xffff  }
0x14a: {  	v22 =	vld.idx.msk [tilespmem:v16+s19+$0x0], $0xffff  }
0x14b: {  	v14 =	vsub.f32 v14, v18;
	v18 =	vld.idx.msk [tilespmem:v5+s1+$0x0], $0xffff  }
0x14c: {  	v23 =	vld.idx.msk [tilespmem:v2+s19+$0x0], $0xffff  }
0x14d: {  	v13 =	vsub.f32 v13, v19;
	v14 =	vmul.f32 v14, v14;
	v19 =	vld.idx.msk [tilespmem:v5+s19+$0x0], $0xffff  }
0x14e: {  	v24 =	vld.idx.msk [tilespmem:v4+s1+$0x0], $0xffff  }
0x14f: {  	v15 =	vsub.f32 v21, v15;
	v13 =	vmul.f32 v13, v13;
	v21 =	vld.idx.msk [tilespmem:v12+s1+$0x0], $0xffff  }
0x150: {  	v17 =	vsub.f32 v22, v17;
	v22 =	vld.idx.msk [tilespmem:v4+s19+$0x0], $0xffff  }
0x151: {  	v15 =	vmul.f32 v15, v15;
	v25 =	vadd.f32 v13, v14;
	v13 =	vsub.f32 v20, v18;
	v14 =	vld.idx.msk [tilespmem:v12+s19+$0x0], $0xffff  }
0x152: {  	v17 =	vmul.f32 v17, v17;
	v18 =	vld.idx.msk [tilespmem:v11+s1+$0x0], $0xffff  }
0x153: {  	v19 =	vsub.f32 v23, v19;
	v13 =	vmul.f32 v13, v13;
	v20 =	vld.idx.msk [tilespmem:v10+s1+$0x0], $0xffff  }
0x154: {  	v17 =	vadd.f32 v17, v15;
	v15 =	vld.idx.msk [tilespmem:v11+s19+$0x0], $0xffff  }
0x155: {  	v19 =	vmul.f32 v19, v19;
	v21 =	vsub.f32 v24, v21;
	v23 =	vld.idx.msk [tilespmem:v10+s19+$0x0], $0xffff  }
0x156: {  	v24 =	vld.idx.msk [tilespmem:v9+s1+$0x0], $0xffff  }
0x157: {  	v13 =	vadd.f32 v19, v13;
	v14 =	vsub.f32 v22, v14;
	v19 =	vmul.f32 v21, v21;
	v21 =	vld.idx.msk [tilespmem:v6+s1+$0x0], $0xffff  }
0x158: {  	v22 =	vld.idx.msk [tilespmem:v9+s19+$0x0], $0xffff  }
0x159: {  	v14 =	vmul.f32 v14, v14;
	v18 =	vsub.f32 v18, v20;
	v20 =	vld.idx.msk [tilespmem:v6+s19+$0x0], $0xffff  }
0x15a: {  	v26 =	vld.idx.msk [tilespmem:v7+s1+$0x0], $0xffff  }
0x15b: {  	v14 =	vadd.f32 v14, v19;
	v15 =	vsub.f32 v15, v23;
	v18 =	vmul.f32 v18, v18;
	v19 =	vld.idx.msk [tilespmem:v8+s1+$0x0], $0xffff  }
0x15c: {  	v23 =	vld.idx.msk [tilespmem:v7+s19+$0x0], $0xffff  }
0x15d: {  	v15 =	vmul.f32 v15, v15;
	v21 =	vsub.f32 v24, v21;
	v24 =	vld.idx.msk [tilespmem:v8+s19+$0x0], $0xffff  }
0x15e: {  	v27 =	vld.idx.msk [tilespmem:v16+s20+$0x0], $0xffff  }
0x15f: {  	v15 =	vadd.f32 v15, v18;
	v16 =	vsub.f32 v22, v20;
	v18 =	vmul.f32 v21, v21;
	v1 =	vld.idx.msk [tilespmem:v1+s20+$0x0], $0xffff  }
0x160: {  	v20 =	vld.idx.msk [tilespmem:v0+s20+$0x0], $0xffff  }
0x161: {  	v0 =	vmul.f32 v16, v16;
	v19 =	vsub.f32 v26, v19;
	v3 =	vld.idx.msk [tilespmem:v3+s20+$0x0], $0xffff  }
0x162: {  	v21 =	vld.idx.msk [tilespmem:v2+s20+$0x0], $0xffff  }
0x163: {  	v16 =	vadd.f32 v0, v18;
	v0 =	vsub.f32 v23, v24;
	v2 =	vmul.f32 v19, v19;
	v5 =	vld.idx.msk [tilespmem:v5+s20+$0x0], $0xffff  }
0x164: {  	v18 =	vld.idx.msk [tilespmem:v4+s20+$0x0], $0xffff  }
0x165: {  	v1 =	vsub.f32 v27, v1;
	v4 =	vmul.f32 v0, v0;
	v12 =	vld.idx.msk [tilespmem:v12+s20+$0x0], $0xffff  }
0x166: {  	v0 =	vld.idx.msk [tilespmem:v11+s20+$0x0], $0xffff  }
.Ltmp8:
0x167: {  	v11 =	vmul.f32 v1, v1;
	v3 =	vsub.f32 v20, v3;
	v1 =	vld.idx.msk [tilespmem:v10+s20+$0x0], $0xffff;
	v10 =	vadd.f32 v4, v2;
	(pc) =	sbr.rel @p0 .LBB2_18-.Ltmp8, $4  }
0x168: {  	v2 =	vld.idx.msk [tilespmem:v9+s20+$0x0], $0xffff  }
0x169: {  	v9 =	vadd.f32 v11, v17;
	v11 =	vmul.f32 v3, v3;
	v5 =	vsub.f32 v21, v5;
	v3 =	vld.idx.msk [tilespmem:v6+s20+$0x0], $0xffff  }
0x16a: {  	v4 =	vld.idx.msk [tilespmem:v7+s20+$0x0], $0xffff  }
0x16b: {  	s31 =	sadd.s32 $0x100, s31;
	v6 =	vadd.f32 v11, v25;
	v7 =	vmul.f32 v5, v5;
	v11 =	vsub.f32 v18, v12;
	v5 =	vld.idx.msk [tilespmem:v8+s20+$0x0], $0xffff  }
0x16c: {  	_ =	sdelay $0x1  }
0x16d: {  	v0 =	vsub.f32 v0, v1  }
0x16e: {  	v59 =	vmul.f32 v11, v11;
	v2 =	vsub.f32 v2, v3  }
0x16f: {  	[tilespmem:s29+$0xFFFFFF90] =	vst v9;
	v60 =	vadd.f32 v7, v13;
	v0 =	vmul.f32 v0, v0;
	v4 =	vsub.f32 v4, v5  }
0x170: {  	[tilespmem:s29+$0xFFFFFFA0] =	vst v6;
	v1 =	vadd.f32 v59, v14;
	v2 =	vmul.f32 v2, v2  }
0x171: {  	[tilespmem:s29+$0xFFFFFFB0] =	vst v60;
	v0 =	vadd.f32 v0, v15;
	v61 =	vmul.f32 v4, v4  }
0x172: {  	[tilespmem:s29+$0xFFFFFFC0] =	vst v1;
	v62 =	vadd.f32 v2, v16  }
0x173: {  	[tilespmem:s29+$0xFFFFFFD0] =	vst v0;
	v63 =	vadd.f32 v61, v10  }
0x174: {  	s28 =	simm.s32 $0x14080;
	[tilespmem:s29+$0xFFFFFFE0] =	vst v62  }
0x175: {  	s31 =	sadd.s32 $0x0, s13;
	s30 =	simm.s32 $0x14180;
	[tilespmem:s29+$0xFFFFFFF0] =	vst v63;
	s29 =	simm.s32 $0x10  }
.LBB2_20:
0x176: {  	[hbm4b:s31+s1] =	stream.linear.scatter [tilespmem:s28], [sflag:$0x5], $0x80, $0x38;
	[tilespmem:$0x18000] =	vst v63  }
0x177: {  	s31 =	smov.u32 s29;
	s28 =	smov.u32 s30;
	p0 =	sne.s32 s29, $0x3F0  }
.Ltmp9:
0x178: {  	s29 =	sadd.s32 $0x10, s29;
	(pc) =	sbr.rel @p0 .LBB2_20-.Ltmp9, $2  }
0x179: {  	_ =	sdelay $0x2  }
0x17a: {  	s30 =	sadd.s32 $0x100, s30;
	s31 =	sadd.s32 s31, s13  }
0x17b: {  	[hbm4b:s31+s1] =	stream.linear.scatter [tilespmem:s28], [sflag:$0x5], $0x80, $0x38;
	[tilespmem:$0x18000] =	vst v63  }
0x17c: {  	s28 =	simm.s32 $0xC080  }
0x17d: {  	s29 =	simm.s32 $0x10;
	s31 =	sadd.s32 $0x0, s14;
	s30 =	simm.s32 $0xC180  }
.LBB2_22:
0x17e: {  	[tilespmem:s28], [sflag:$0x3] =	stream.linear.gather [hbm4b:s31+s1], $0x80, $0x38;
	[tilespmem:$0x18000] =	vst v63  }
0x17f: {  	s31 =	smov.u32 s29;
	s28 =	smov.u32 s30;
	p0 =	sne.s32 s29, $0x3F0  }
.Ltmp10:
0x180: {  	s29 =	sadd.s32 $0x10, s29;
	(pc) =	sbr.rel @p0 .LBB2_22-.Ltmp10, $2  }
0x181: {  	_ =	sdelay $0x2  }
0x182: {  	s30 =	sadd.s32 $0x100, s30;
	s31 =	sadd.s32 s31, s14  }
0x183: {  	[tilespmem:s28], [sflag:$0x3] =	stream.linear.gather [hbm4b:s31+s1], $0x80, $0x38;
	[tilespmem:$0x18000] =	vst v63  }
0x184: {  	s28 =	simm.s32 $0x10080  }
0x185: {  	s29 =	simm.s32 $0x10;
	s31 =	sadd.s32 $0x0, s15;
	s30 =	simm.s32 $0x10180  }
.LBB2_24:
0x186: {  	[tilespmem:s28], [sflag:$0x3] =	stream.linear.gather [hbm4b:s31+s1], $0x80, $0x38;
	[tilespmem:$0x18000] =	vst v63  }
0x187: {  	s31 =	smov.u32 s29;
	s28 =	smov.u32 s30;
	p0 =	sne.s32 s29, $0x3F0  }
.Ltmp11:
0x188: {  	s29 =	sadd.s32 $0x10, s29;
	(pc) =	sbr.rel @p0 .LBB2_24-.Ltmp11, $2  }
0x189: {  	_ =	sdelay $0x2  }
0x18a: {  	s30 =	sadd.s32 $0x100, s30;
	s31 =	sadd.s32 s31, s15  }
0x18b: {  	[tilespmem:s28], [sflag:$0x3] =	stream.linear.gather [hbm4b:s31+s1], $0x80, $0x38;
	[tilespmem:$0x18000] =	vst v63  }
0x18c: {  	_ =	swait.ge [sflag:s22], $0x2000  }
0x18d: {  	[sflag:s22] =	ssyncset.done $0x0  }
0x18e: {  	[sflag:s22] =	ssyncadd.s32 $0xFFFFE000  }
0x18f: {  	_ =	swait.ge [sflag:s22], $0x2000  }
0x190: {  	[sflag:s22] =	ssyncset.done $0x0  }
0x191: {  	[sflag:s22] =	ssyncadd.s32 $0xFFFFE000  }
0x192: {  	_ =	swait.ge [sflag:s24], $0x2000  }
0x193: {  	[sflag:s24] =	ssyncset.done $0x0  }
0x194: {  	s29 =	simm.s32 $0xC040;
	[sflag:s24] =	ssyncadd.s32 $0xFFFFE000  }
0x195: {  	s28 =	simm.s32 $0x10040;
	v0 =	vld [tilespmem:s29+$0x30]  }
0x196: {  	v1 =	vld [tilespmem:s28+$0x30]  }
0x197: {  	v2 =	vld [tilespmem:s28+$0xFFFFFFC0]  }
0x198: {  	v3 =	vld [tilespmem:s29+$0xFFFFFFD0]  }
0x199: {  	v4 =	vld [tilespmem:s28+$0xFFFFFFD0]  }
0x19a: {  	v5 =	vld [tilespmem:s29+$0xFFFFFFE0]  }
0x19b: {  	v6 =	vld [tilespmem:s28+$0xFFFFFFE0]  }
0x19c: {  	v7 =	vld [tilespmem:s29+$0xFFFFFFF0]  }
0x19d: {  	v12 =	vld [tilespmem:s28+$0xFFFFFFF0]  }
0x19e: {  	v15 =	vld [tilespmem:s29+$0x0]  }
0x19f: {  	v16 =	vld [tilespmem:s28+$0x0]  }
0x1a0: {  	v17 =	vld [tilespmem:s29+$0x10]  }
0x1a1: {  	v18 =	vld [tilespmem:s28+$0x10]  }
0x1a2: {  	v19 =	vld [tilespmem:s29+$0x20]  }
0x1a3: {  	v20 =	vld [tilespmem:s28+$0x20]  }
0x1a4: {  	v13 =	vld [tilespmem:s29+$0xFFFFFFC0]  }
0x1a5: {  	v8 =	vld.idx.msk [tilespmem:v0+s1+$0x0], $0xffff  }
0x1a6: {  	v9 =	vld.idx.msk [tilespmem:v1+s1+$0x0], $0xffff  }
0x1a7: {  	v10 =	vld.idx.msk [tilespmem:v0+s19+$0x0], $0xffff  }
0x1a8: {  	v11 =	vld.idx.msk [tilespmem:v1+s19+$0x0], $0xffff  }
0x1a9: {  	v0 =	vld.idx.msk [tilespmem:v0+s20+$0x0], $0xffff  }
0x1aa: {  	v1 =	vld.idx.msk [tilespmem:v1+s20+$0x0], $0xffff  }
0x1ab: {  	v14 =	vld.idx.msk [tilespmem:v2+s1+$0x0], $0xffff  }
0x1ac: {  	v21 =	vld.idx.msk [tilespmem:v2+s19+$0x0], $0xffff  }
0x1ad: {  	v22 =	vld.idx.msk [tilespmem:v3+s1+$0x0], $0xffff  }
0x1ae: {  	v23 =	vld.idx.msk [tilespmem:v4+s1+$0x0], $0xffff  }
0x1af: {  	v24 =	vld.idx.msk [tilespmem:v3+s19+$0x0], $0xffff  }
0x1b0: {  	v25 =	vld.idx.msk [tilespmem:v4+s19+$0x0], $0xffff  }
0x1b1: {  	v26 =	vld.idx.msk [tilespmem:v5+s1+$0x0], $0xffff  }
0x1b2: {  	v27 =	vld.idx.msk [tilespmem:v13+s1+$0x0], $0xffff  }
0x1b3: {  	v28 =	vld.idx.msk [tilespmem:v13+s19+$0x0], $0xffff  }
0x1b4: {  	v29 =	vld.idx.msk [tilespmem:v6+s1+$0x0], $0xffff  }
0x1b5: {  	v30 =	vld.idx.msk [tilespmem:v5+s19+$0x0], $0xffff  }
0x1b6: {  	v31 =	vld.idx.msk [tilespmem:v6+s19+$0x0], $0xffff  }
0x1b7: {  	v32 =	vld.idx.msk [tilespmem:v7+s1+$0x0], $0xffff  }
0x1b8: {  	v33 =	vld.idx.msk [tilespmem:v12+s1+$0x0], $0xffff  }
0x1b9: {  	v34 =	vld.idx.msk [tilespmem:v7+s19+$0x0], $0xffff  }
0x1ba: {  	v35 =	vld.idx.msk [tilespmem:v12+s19+$0x0], $0xffff  }
0x1bb: {  	v36 =	vld.idx.msk [tilespmem:v15+s1+$0x0], $0xffff  }
0x1bc: {  	v37 =	vld.idx.msk [tilespmem:v16+s1+$0x0], $0xffff  }
0x1bd: {  	v38 =	vld.idx.msk [tilespmem:v18+s1+$0x0], $0xffff  }
0x1be: {  	v39 =	vld.idx.msk [tilespmem:v18+s19+$0x0], $0xffff  }
0x1bf: {  	v53 =	vld.idx.msk [tilespmem:v20+s1+$0x0], $0xffff  }
0x1c0: {  	v54 =	vld.idx.msk [tilespmem:v19+s19+$0x0], $0xffff  }
0x1c1: {  	v57 =	vld.idx.msk [tilespmem:v20+s19+$0x0], $0xffff;
	v8 =	vsub.f32 v8, v9;
	v9 =	vsub.f32 v10, v11  }
0x1c2: {  	v59 =	vld.idx.msk [tilespmem:v13+s20+$0x0], $0xffff  }
0x1c3: {  	v2 =	vld.idx.msk [tilespmem:v2+s20+$0x0], $0xffff;
	v0 =	vsub.f32 v0, v1;
	v1 =	vmul.f32 v8, v8;
	v8 =	vmul.f32 v9, v9  }
0x1c4: {  	v3 =	vld.idx.msk [tilespmem:v3+s20+$0x0], $0xffff;
	v52 =	vsub.f32 v24, v25  }
0x1c5: {  	v4 =	vld.idx.msk [tilespmem:v4+s20+$0x0], $0xffff;
	v14 =	vsub.f32 v27, v14;
	v0 =	vmul.f32 v0, v0;
	v1 =	vadd.f32 v8, v1  }
0x1c6: {  	v10 =	vld.idx.msk [tilespmem:v15+s19+$0x0], $0xffff;
	v21 =	vsub.f32 v28, v21;
	v55 =	vsub.f32 v26, v29  }
0x1c7: {  	v11 =	vld.idx.msk [tilespmem:v16+s19+$0x0], $0xffff;
	v40 =	vadd.f32 v0, v1;
	v1 =	vsub.f32 v22, v23  }
0x1c8: {  	v56 =	vsub.f32 v30, v31;
	v58 =	vsub.f32 v32, v33;
	v9 =	vld.idx.msk [tilespmem:v17+s1+$0x0], $0xffff  }
0x1c9: {  	v13 =	vsub.f32 v34, v35;
	v8 =	vld.idx.msk [tilespmem:v17+s19+$0x0], $0xffff;
	v22 =	vmul.f32 v52, v52;
	v1 =	vmul.f32 v1, v1  }
0x1ca: {  	v62 =	vsub.f32 v54, v57;
	v14 =	vmul.f32 v14, v14;
	v21 =	vmul.f32 v21, v21;
	v0 =	vld.idx.msk [tilespmem:v19+s1+$0x0], $0xffff  }
0x1cb: {  	v5 =	vld.idx.msk [tilespmem:v5+s20+$0x0], $0xffff;
	v60 =	vmul.f32 v56, v56;
	v22 =	vadd.f32 v22, v1;
	v1 =	vmul.f32 v55, v55  }
0x1cc: {  	v6 =	vld.idx.msk [tilespmem:v6+s20+$0x0], $0xffff;
	v2 =	vsub.f32 v59, v2;
	v21 =	vadd.f32 v21, v14  }
0x1cd: {  	v61 =	vmul.f32 v13, v13;
	v13 =	vadd.f32 v60, v1;
	v1 =	vsub.f32 v36, v37  }
0x1ce: {  	v12 =	vld.idx.msk [tilespmem:v12+s20+$0x0], $0xffff;
	v14 =	vmul.f32 v58, v58;
	v10 =	vsub.f32 v10, v11;
	v9 =	vsub.f32 v9, v38  }
0x1cf: {  	v11 =	vld.idx.msk [tilespmem:v7+s20+$0x0], $0xffff;
	v8 =	vsub.f32 v8, v39;
	v7 =	vmul.f32 v1, v1;
	v1 =	vsub.f32 v0, v53  }
0x1d0: {  	v3 =	vsub.f32 v3, v4;
	v10 =	vmul.f32 v10, v10;
	v9 =	vmul.f32 v9, v9;
	v0 =	vld.idx.msk [tilespmem:v15+s20+$0x0], $0xffff  }
0x1d1: {  	v5 =	vsub.f32 v5, v6;
	v8 =	vmul.f32 v8, v8;
	v63 =	vmul.f32 v1, v1;
	v1 =	vld.idx.msk [tilespmem:v16+s20+$0x0], $0xffff  }
0x1d2: {  	v4 =	vmul.f32 v62, v62;
	v15 =	vadd.f32 v10, v7;
	v7 =	vmul.f32 v2, v2;
	v2 =	vld.idx.msk [tilespmem:v17+s20+$0x0], $0xffff  }
0x1d3: {  	s29 =	simm.s32 $0x14040;
	v14 =	vadd.f32 v61, v14;
	v16 =	vadd.f32 v8, v9;
	v8 =	vmul.f32 v3, v3;
	v3 =	vld.idx.msk [tilespmem:v18+s20+$0x0], $0xffff  }
0x1d4: {  	[tilespmem:s29+$0x30] =	vst v40;
	v10 =	vadd.f32 v4, v63;
	v9 =	vadd.f32 v7, v21;
	v4 =	vld.idx.msk [tilespmem:v19+s20+$0x0], $0xffff  }
0x1d5: {  	s30 =	simm.s32 $0x0;
	s31 =	simm.s32 $0xC140;
	v11 =	vsub.f32 v11, v12;
	v6 =	vadd.f32 v8, v22;
	v7 =	vmul.f32 v5, v5;
	v5 =	vld.idx.msk [tilespmem:v20+s20+$0x0], $0xffff  }
.LBB2_26:
0x1d6: {  	v8 =	vld [tilespmem:s31+$0x30];
	[tilespmem:s29+$0xFFFFFFC0] =	vst v9;
	s28 =	sadd.s32 $0x100, s28  }
0x1d7: {  	v9 =	vld [tilespmem:s28+$0x30];
	[tilespmem:s29+$0xFFFFFFD0] =	vst v6;
	v6 =	vadd.f32 v7, v13;
	v7 =	vmul.f32 v11, v11;
	v11 =	vsub.f32 v0, v1  }
0x1d8: {  	v1 =	vld [tilespmem:s28+$0xFFFFFFC0]  }
0x1d9: {  	s30 =	sadd.s32 $0x8, s30;
	v0 =	vld [tilespmem:s31+$0xFFFFFFD0];
	[tilespmem:s29+$0xFFFFFFE0] =	vst v6;
	v6 =	vadd.f32 v7, v14;
	v7 =	vmul.f32 v11, v11;
	v11 =	vsub.f32 v2, v3  }
0x1da: {  	p0 =	slt.u32 s30, $0x1F8;
	v3 =	vld [tilespmem:s28+$0xFFFFFFD0]  }
0x1db: {  	v2 =	vld [tilespmem:s31+$0xFFFFFFE0];
	[tilespmem:s29+$0xFFFFFFF0] =	vst v6;
	v6 =	vadd.f32 v7, v15;
	v7 =	vmul.f32 v11, v11;
	v11 =	vsub.f32 v4, v5  }
0x1dc: {  	v5 =	vld [tilespmem:s28+$0xFFFFFFE0]  }
0x1dd: {  	v4 =	vld [tilespmem:s31+$0xFFFFFFF0];
	[tilespmem:s29+$0x0] =	vst v6;
	v6 =	vadd.f32 v7, v16;
	v7 =	vmul.f32 v11, v11  }
0x1de: {  	v13 =	vld.idx.msk [tilespmem:v8+s1+$0x0], $0xffff  }
0x1df: {  	v14 =	vld.idx.msk [tilespmem:v9+s1+$0x0], $0xffff;
	[tilespmem:s29+$0x10] =	vst v6;
	v6 =	vadd.f32 v7, v10  }
0x1e0: {  	v7 =	vld.idx.msk [tilespmem:v8+s19+$0x0], $0xffff  }
0x1e1: {  	v15 =	vld.idx.msk [tilespmem:v9+s19+$0x0], $0xffff;
	[tilespmem:s29+$0x20] =	vst v6  }
0x1e2: {  	v8 =	vld.idx.msk [tilespmem:v8+s20+$0x0], $0xffff  }
0x1e3: {  	v16 =	vld.idx.msk [tilespmem:v9+s20+$0x0], $0xffff  }
0x1e4: {  	v12 =	vld [tilespmem:s28+$0xFFFFFFF0]  }
0x1e5: {  	v11 =	vld [tilespmem:s31+$0x0]  }
0x1e6: {  	v10 =	vld [tilespmem:s28+$0x0]  }
0x1e7: {  	v13 =	vsub.f32 v13, v14;
	v14 =	vsub.f32 v7, v15;
	v9 =	vld [tilespmem:s31+$0x10]  }
0x1e8: {  	v6 =	vld [tilespmem:s28+$0x10]  }
0x1e9: {  	v13 =	vmul.f32 v13, v13;
	v15 =	vsub.f32 v8, v16;
	v14 =	vmul.f32 v14, v14;
	v7 =	vld [tilespmem:s31+$0x20]  }
0x1ea: {  	v8 =	vld [tilespmem:s28+$0x20]  }
0x1eb: {  	v13 =	vadd.f32 v14, v13;
	v14 =	vmul.f32 v15, v15;
	v16 =	vld [tilespmem:s31+$0xFFFFFFC0]  }
0x1ec: {  	v15 =	vld.idx.msk [tilespmem:v1+s1+$0x0], $0xffff  }
0x1ed: {  	v13 =	vadd.f32 v14, v13;
	v17 =	vld.idx.msk [tilespmem:v1+s19+$0x0], $0xffff  }
0x1ee: {  	s29 =	sadd.s32 $0x100, s29;
	v14 =	vld.idx.msk [tilespmem:v0+s1+$0x0], $0xffff  }
0x1ef: {  	v18 =	vld.idx.msk [tilespmem:v3+s1+$0x0], $0xffff;
	[tilespmem:s29+$0x30] =	vst v13  }
0x1f0: {  	v13 =	vld.idx.msk [tilespmem:v0+s19+$0x0], $0xffff  }
0x1f1: {  	v19 =	vld.idx.msk [tilespmem:v3+s19+$0x0], $0xffff  }
0x1f2: {  	v20 =	vld.idx.msk [tilespmem:v2+s1+$0x0], $0xffff  }
0x1f3: {  	v21 =	vld.idx.msk [tilespmem:v16+s1+$0x0], $0xffff  }
0x1f4: {  	v22 =	vld.idx.msk [tilespmem:v16+s19+$0x0], $0xffff  }
0x1f5: {  	v14 =	vsub.f32 v14, v18;
	v18 =	vld.idx.msk [tilespmem:v5+s1+$0x0], $0xffff  }
0x1f6: {  	v23 =	vld.idx.msk [tilespmem:v2+s19+$0x0], $0xffff  }
0x1f7: {  	v13 =	vsub.f32 v13, v19;
	v14 =	vmul.f32 v14, v14;
	v19 =	vld.idx.msk [tilespmem:v5+s19+$0x0], $0xffff  }
0x1f8: {  	v24 =	vld.idx.msk [tilespmem:v4+s1+$0x0], $0xffff  }
0x1f9: {  	v15 =	vsub.f32 v21, v15;
	v13 =	vmul.f32 v13, v13;
	v21 =	vld.idx.msk [tilespmem:v12+s1+$0x0], $0xffff  }
0x1fa: {  	v17 =	vsub.f32 v22, v17;
	v22 =	vld.idx.msk [tilespmem:v4+s19+$0x0], $0xffff  }
0x1fb: {  	v15 =	vmul.f32 v15, v15;
	v25 =	vadd.f32 v13, v14;
	v13 =	vsub.f32 v20, v18;
	v14 =	vld.idx.msk [tilespmem:v12+s19+$0x0], $0xffff  }
0x1fc: {  	v17 =	vmul.f32 v17, v17;
	v18 =	vld.idx.msk [tilespmem:v11+s1+$0x0], $0xffff  }
0x1fd: {  	v19 =	vsub.f32 v23, v19;
	v13 =	vmul.f32 v13, v13;
	v20 =	vld.idx.msk [tilespmem:v10+s1+$0x0], $0xffff  }
0x1fe: {  	v17 =	vadd.f32 v17, v15;
	v15 =	vld.idx.msk [tilespmem:v11+s19+$0x0], $0xffff  }
0x1ff: {  	v19 =	vmul.f32 v19, v19;
	v21 =	vsub.f32 v24, v21;
	v23 =	vld.idx.msk [tilespmem:v10+s19+$0x0], $0xffff  }
0x200: {  	v24 =	vld.idx.msk [tilespmem:v9+s1+$0x0], $0xffff  }
0x201: {  	v13 =	vadd.f32 v19, v13;
	v14 =	vsub.f32 v22, v14;
	v19 =	vmul.f32 v21, v21;
	v21 =	vld.idx.msk [tilespmem:v6+s1+$0x0], $0xffff  }
0x202: {  	v22 =	vld.idx.msk [tilespmem:v9+s19+$0x0], $0xffff  }
0x203: {  	v14 =	vmul.f32 v14, v14;
	v18 =	vsub.f32 v18, v20;
	v20 =	vld.idx.msk [tilespmem:v6+s19+$0x0], $0xffff  }
0x204: {  	v26 =	vld.idx.msk [tilespmem:v7+s1+$0x0], $0xffff  }
0x205: {  	v14 =	vadd.f32 v14, v19;
	v15 =	vsub.f32 v15, v23;
	v18 =	vmul.f32 v18, v18;
	v19 =	vld.idx.msk [tilespmem:v8+s1+$0x0], $0xffff  }
0x206: {  	v23 =	vld.idx.msk [tilespmem:v7+s19+$0x0], $0xffff  }
0x207: {  	v15 =	vmul.f32 v15, v15;
	v21 =	vsub.f32 v24, v21;
	v24 =	vld.idx.msk [tilespmem:v8+s19+$0x0], $0xffff  }
0x208: {  	v27 =	vld.idx.msk [tilespmem:v16+s20+$0x0], $0xffff  }
0x209: {  	v15 =	vadd.f32 v15, v18;
	v16 =	vsub.f32 v22, v20;
	v18 =	vmul.f32 v21, v21;
	v1 =	vld.idx.msk [tilespmem:v1+s20+$0x0], $0xffff  }
0x20a: {  	v20 =	vld.idx.msk [tilespmem:v0+s20+$0x0], $0xffff  }
0x20b: {  	v0 =	vmul.f32 v16, v16;
	v19 =	vsub.f32 v26, v19;
	v3 =	vld.idx.msk [tilespmem:v3+s20+$0x0], $0xffff  }
0x20c: {  	v21 =	vld.idx.msk [tilespmem:v2+s20+$0x0], $0xffff  }
0x20d: {  	v16 =	vadd.f32 v0, v18;
	v0 =	vsub.f32 v23, v24;
	v2 =	vmul.f32 v19, v19;
	v5 =	vld.idx.msk [tilespmem:v5+s20+$0x0], $0xffff  }
0x20e: {  	v18 =	vld.idx.msk [tilespmem:v4+s20+$0x0], $0xffff  }
0x20f: {  	v1 =	vsub.f32 v27, v1;
	v4 =	vmul.f32 v0, v0;
	v12 =	vld.idx.msk [tilespmem:v12+s20+$0x0], $0xffff  }
0x210: {  	v0 =	vld.idx.msk [tilespmem:v11+s20+$0x0], $0xffff  }
.Ltmp12:
0x211: {  	v11 =	vmul.f32 v1, v1;
	v3 =	vsub.f32 v20, v3;
	v1 =	vld.idx.msk [tilespmem:v10+s20+$0x0], $0xffff;
	v10 =	vadd.f32 v4, v2;
	(pc) =	sbr.rel @p0 .LBB2_26-.Ltmp12, $4  }
0x212: {  	v2 =	vld.idx.msk [tilespmem:v9+s20+$0x0], $0xffff  }
0x213: {  	v9 =	vadd.f32 v11, v17;
	v11 =	vmul.f32 v3, v3;
	v5 =	vsub.f32 v21, v5;
	v3 =	vld.idx.msk [tilespmem:v6+s20+$0x0], $0xffff  }
0x214: {  	v4 =	vld.idx.msk [tilespmem:v7+s20+$0x0], $0xffff  }
0x215: {  	s31 =	sadd.s32 $0x100, s31;
	v6 =	vadd.f32 v11, v25;
	v7 =	vmul.f32 v5, v5;
	v11 =	vsub.f32 v18, v12;
	v5 =	vld.idx.msk [tilespmem:v8+s20+$0x0], $0xffff  }
0x216: {  	_ =	sdelay $0x1  }
0x217: {  	v0 =	vsub.f32 v0, v1  }
0x218: {  	v59 =	vmul.f32 v11, v11;
	v2 =	vsub.f32 v2, v3  }
0x219: {  	[tilespmem:s29+$0xFFFFFFC0] =	vst v9;
	v60 =	vadd.f32 v7, v13;
	v0 =	vmul.f32 v0, v0;
	v4 =	vsub.f32 v4, v5  }
0x21a: {  	[tilespmem:s29+$0xFFFFFFD0] =	vst v6;
	v1 =	vadd.f32 v59, v14;
	v2 =	vmul.f32 v2, v2  }
0x21b: {  	[tilespmem:s29+$0xFFFFFFE0] =	vst v60;
	v0 =	vadd.f32 v0, v15;
	v61 =	vmul.f32 v4, v4  }
0x21c: {  	[tilespmem:s29+$0xFFFFFFF0] =	vst v1;
	v62 =	vadd.f32 v2, v16  }
0x21d: {  	[tilespmem:s29+$0x0] =	vst v0;
	v63 =	vadd.f32 v61, v10  }
0x21e: {  	s28 =	simm.s32 $0x14000;
	[tilespmem:s29+$0x10] =	vst v62  }
0x21f: {  	s31 =	sadd.s32 $0x0, s16;
	s30 =	simm.s32 $0x14100;
	[tilespmem:s29+$0x20] =	vst v63;
	s29 =	simm.s32 $0x10  }
.LBB2_28:
0x220: {  	[hbm4b:s31+s1] =	stream.linear.scatter [tilespmem:s28], [sflag:$0x4], $0x80, $0x38;
	[tilespmem:$0x18000] =	vst v63  }
0x221: {  	s31 =	smov.u32 s29;
	s28 =	smov.u32 s30;
	p0 =	sne.s32 s29, $0x3F0  }
.Ltmp13:
0x222: {  	s29 =	sadd.s32 $0x10, s29;
	(pc) =	sbr.rel @p0 .LBB2_28-.Ltmp13, $2  }
0x223: {  	_ =	sdelay $0x2  }
0x224: {  	s30 =	sadd.s32 $0x100, s30;
	s31 =	sadd.s32 s31, s16  }
0x225: {  	[hbm4b:s31+s1] =	stream.linear.scatter [tilespmem:s28], [sflag:$0x4], $0x80, $0x38;
	[tilespmem:$0x18000] =	vst v63  }
0x226: {  	_ =	swait.ge [sflag:s23], $0x2000  }
0x227: {  	[sflag:s23] =	ssyncset.done $0x0  }
0x228: {  	[sflag:s23] =	ssyncadd.s32 $0xFFFFE000  }
0x229: {  	_ =	swait.ge [sflag:s23], $0x2000  }
0x22a: {  	[sflag:s23] =	ssyncset.done $0x0  }
0x22b: {  	[sflag:s23] =	ssyncadd.s32 $0xFFFFE000  }
0x22c: {  	_ =	swait.ge [sflag:s25], $0x2000  }
0x22d: {  	[sflag:s25] =	ssyncset.done $0x0  }
0x22e: {  	s29 =	simm.s32 $0xC0F0;
	[sflag:s25] =	ssyncadd.s32 $0xFFFFE000  }
0x22f: {  	s28 =	simm.s32 $0x100F0;
	v0 =	vld [tilespmem:s29+$0x0]  }
0x230: {  	v1 =	vld [tilespmem:s28+$0x0]  }
0x231: {  	v2 =	vld [tilespmem:s28+$0xFFFFFF90]  }
0x232: {  	v3 =	vld [tilespmem:s29+$0xFFFFFFA0]  }
0x233: {  	v4 =	vld [tilespmem:s28+$0xFFFFFFA0]  }
0x234: {  	v5 =	vld [tilespmem:s29+$0xFFFFFFB0]  }
0x235: {  	v6 =	vld [tilespmem:s28+$0xFFFFFFB0]  }
0x236: {  	v7 =	vld [tilespmem:s29+$0xFFFFFFC0]  }
0x237: {  	v12 =	vld [tilespmem:s28+$0xFFFFFFC0]  }
0x238: {  	v15 =	vld [tilespmem:s29+$0xFFFFFFD0]  }
0x239: {  	v16 =	vld [tilespmem:s28+$0xFFFFFFD0]  }
0x23a: {  	v17 =	vld [tilespmem:s29+$0xFFFFFFE0]  }
0x23b: {  	v18 =	vld [tilespmem:s28+$0xFFFFFFE0]  }
0x23c: {  	v19 =	vld [tilespmem:s29+$0xFFFFFFF0]  }
0x23d: {  	v20 =	vld [tilespmem:s28+$0xFFFFFFF0]  }
0x23e: {  	v13 =	vld [tilespmem:s29+$0xFFFFFF90]  }
0x23f: {  	v8 =	vld.idx.msk [tilespmem:v0+s1+$0x0], $0xffff  }
0x240: {  	v9 =	vld.idx.msk [tilespmem:v1+s1+$0x0], $0xffff  }
0x241: {  	v10 =	vld.idx.msk [tilespmem:v0+s19+$0x0], $0xffff  }
0x242: {  	v11 =	vld.idx.msk [tilespmem:v1+s19+$0x0], $0xffff  }
0x243: {  	v0 =	vld.idx.msk [tilespmem:v0+s20+$0x0], $0xffff  }
0x244: {  	v1 =	vld.idx.msk [tilespmem:v1+s20+$0x0], $0xffff  }
0x245: {  	v14 =	vld.idx.msk [tilespmem:v2+s1+$0x0], $0xffff  }
0x246: {  	v21 =	vld.idx.msk [tilespmem:v2+s19+$0x0], $0xffff  }
0x247: {  	v22 =	vld.idx.msk [tilespmem:v3+s1+$0x0], $0xffff  }
0x248: {  	v23 =	vld.idx.msk [tilespmem:v4+s1+$0x0], $0xffff  }
0x249: {  	v24 =	vld.idx.msk [tilespmem:v3+s19+$0x0], $0xffff  }
0x24a: {  	v25 =	vld.idx.msk [tilespmem:v4+s19+$0x0], $0xffff  }
0x24b: {  	v26 =	vld.idx.msk [tilespmem:v5+s1+$0x0], $0xffff  }
0x24c: {  	v27 =	vld.idx.msk [tilespmem:v13+s1+$0x0], $0xffff  }
0x24d: {  	v28 =	vld.idx.msk [tilespmem:v13+s19+$0x0], $0xffff  }
0x24e: {  	v29 =	vld.idx.msk [tilespmem:v6+s1+$0x0], $0xffff  }
0x24f: {  	v30 =	vld.idx.msk [tilespmem:v5+s19+$0x0], $0xffff  }
0x250: {  	v31 =	vld.idx.msk [tilespmem:v6+s19+$0x0], $0xffff  }
0x251: {  	v32 =	vld.idx.msk [tilespmem:v7+s1+$0x0], $0xffff  }
0x252: {  	v33 =	vld.idx.msk [tilespmem:v12+s1+$0x0], $0xffff  }
0x253: {  	v34 =	vld.idx.msk [tilespmem:v7+s19+$0x0], $0xffff  }
0x254: {  	v35 =	vld.idx.msk [tilespmem:v12+s19+$0x0], $0xffff  }
0x255: {  	v36 =	vld.idx.msk [tilespmem:v15+s1+$0x0], $0xffff  }
0x256: {  	v37 =	vld.idx.msk [tilespmem:v16+s1+$0x0], $0xffff  }
0x257: {  	v38 =	vld.idx.msk [tilespmem:v18+s1+$0x0], $0xffff  }
0x258: {  	v39 =	vld.idx.msk [tilespmem:v18+s19+$0x0], $0xffff  }
0x259: {  	v53 =	vld.idx.msk [tilespmem:v20+s1+$0x0], $0xffff  }
0x25a: {  	v54 =	vld.idx.msk [tilespmem:v19+s19+$0x0], $0xffff  }
0x25b: {  	v57 =	vld.idx.msk [tilespmem:v20+s19+$0x0], $0xffff;
	v8 =	vsub.f32 v8, v9;
	v9 =	vsub.f32 v10, v11  }
0x25c: {  	v59 =	vld.idx.msk [tilespmem:v13+s20+$0x0], $0xffff  }
0x25d: {  	v2 =	vld.idx.msk [tilespmem:v2+s20+$0x0], $0xffff;
	v0 =	vsub.f32 v0, v1;
	v1 =	vmul.f32 v8, v8;
	v8 =	vmul.f32 v9, v9  }
0x25e: {  	v3 =	vld.idx.msk [tilespmem:v3+s20+$0x0], $0xffff;
	v52 =	vsub.f32 v24, v25  }
0x25f: {  	v4 =	vld.idx.msk [tilespmem:v4+s20+$0x0], $0xffff;
	v14 =	vsub.f32 v27, v14;
	v0 =	vmul.f32 v0, v0;
	v1 =	vadd.f32 v8, v1  }
0x260: {  	v10 =	vld.idx.msk [tilespmem:v15+s19+$0x0], $0xffff;
	v21 =	vsub.f32 v28, v21;
	v55 =	vsub.f32 v26, v29  }
0x261: {  	v11 =	vld.idx.msk [tilespmem:v16+s19+$0x0], $0xffff;
	v40 =	vadd.f32 v0, v1;
	v1 =	vsub.f32 v22, v23  }
0x262: {  	v56 =	vsub.f32 v30, v31;
	v58 =	vsub.f32 v32, v33;
	v9 =	vld.idx.msk [tilespmem:v17+s1+$0x0], $0xffff  }
0x263: {  	v13 =	vsub.f32 v34, v35;
	v8 =	vld.idx.msk [tilespmem:v17+s19+$0x0], $0xffff;
	v22 =	vmul.f32 v52, v52;
	v1 =	vmul.f32 v1, v1  }
0x264: {  	v62 =	vsub.f32 v54, v57;
	v14 =	vmul.f32 v14, v14;
	v21 =	vmul.f32 v21, v21;
	v0 =	vld.idx.msk [tilespmem:v19+s1+$0x0], $0xffff  }
0x265: {  	v5 =	vld.idx.msk [tilespmem:v5+s20+$0x0], $0xffff;
	v60 =	vmul.f32 v56, v56;
	v22 =	vadd.f32 v22, v1;
	v1 =	vmul.f32 v55, v55  }
0x266: {  	v6 =	vld.idx.msk [tilespmem:v6+s20+$0x0], $0xffff;
	v2 =	vsub.f32 v59, v2;
	v21 =	vadd.f32 v21, v14  }
0x267: {  	v61 =	vmul.f32 v13, v13;
	v13 =	vadd.f32 v60, v1;
	v1 =	vsub.f32 v36, v37  }
0x268: {  	v12 =	vld.idx.msk [tilespmem:v12+s20+$0x0], $0xffff;
	v14 =	vmul.f32 v58, v58;
	v10 =	vsub.f32 v10, v11;
	v9 =	vsub.f32 v9, v38  }
0x269: {  	v11 =	vld.idx.msk [tilespmem:v7+s20+$0x0], $0xffff;
	v8 =	vsub.f32 v8, v39;
	v7 =	vmul.f32 v1, v1;
	v1 =	vsub.f32 v0, v53  }
0x26a: {  	v3 =	vsub.f32 v3, v4;
	v10 =	vmul.f32 v10, v10;
	v9 =	vmul.f32 v9, v9;
	v0 =	vld.idx.msk [tilespmem:v15+s20+$0x0], $0xffff  }
0x26b: {  	v5 =	vsub.f32 v5, v6;
	v8 =	vmul.f32 v8, v8;
	v63 =	vmul.f32 v1, v1;
	v1 =	vld.idx.msk [tilespmem:v16+s20+$0x0], $0xffff  }
0x26c: {  	v4 =	vmul.f32 v62, v62;
	v15 =	vadd.f32 v10, v7;
	v7 =	vmul.f32 v2, v2;
	v2 =	vld.idx.msk [tilespmem:v17+s20+$0x0], $0xffff  }
0x26d: {  	s29 =	simm.s32 $0x140F0;
	v14 =	vadd.f32 v61, v14;
	v16 =	vadd.f32 v8, v9;
	v8 =	vmul.f32 v3, v3;
	v3 =	vld.idx.msk [tilespmem:v18+s20+$0x0], $0xffff  }
0x26e: {  	[tilespmem:s29+$0x0] =	vst v40;
	v10 =	vadd.f32 v4, v63;
	v9 =	vadd.f32 v7, v21;
	v4 =	vld.idx.msk [tilespmem:v19+s20+$0x0], $0xffff  }
0x26f: {  	s30 =	simm.s32 $0x0;
	s31 =	simm.s32 $0xC1F0;
	v11 =	vsub.f32 v11, v12;
	v6 =	vadd.f32 v8, v22;
	v7 =	vmul.f32 v5, v5;
	v5 =	vld.idx.msk [tilespmem:v20+s20+$0x0], $0xffff  }
.LBB2_30:
0x270: {  	v8 =	vld [tilespmem:s31+$0x0];
	[tilespmem:s29+$0xFFFFFF90] =	vst v9;
	s28 =	sadd.s32 $0x100, s28  }
0x271: {  	v9 =	vld [tilespmem:s28+$0x0];
	[tilespmem:s29+$0xFFFFFFA0] =	vst v6;
	v6 =	vadd.f32 v7, v13;
	v7 =	vmul.f32 v11, v11;
	v11 =	vsub.f32 v0, v1  }
0x272: {  	v1 =	vld [tilespmem:s28+$0xFFFFFF90]  }
0x273: {  	s30 =	sadd.s32 $0x8, s30;
	v0 =	vld [tilespmem:s31+$0xFFFFFFA0];
	[tilespmem:s29+$0xFFFFFFB0] =	vst v6;
	v6 =	vadd.f32 v7, v14;
	v7 =	vmul.f32 v11, v11;
	v11 =	vsub.f32 v2, v3  }
0x274: {  	p0 =	slt.u32 s30, $0x1F8;
	v3 =	vld [tilespmem:s28+$0xFFFFFFA0]  }
0x275: {  	v2 =	vld [tilespmem:s31+$0xFFFFFFB0];
	[tilespmem:s29+$0xFFFFFFC0] =	vst v6;
	v6 =	vadd.f32 v7, v15;
	v7 =	vmul.f32 v11, v11;
	v11 =	vsub.f32 v4, v5  }
0x276: {  	v5 =	vld [tilespmem:s28+$0xFFFFFFB0]  }
0x277: {  	v4 =	vld [tilespmem:s31+$0xFFFFFFC0];
	[tilespmem:s29+$0xFFFFFFD0] =	vst v6;
	v6 =	vadd.f32 v7, v16;
	v7 =	vmul.f32 v11, v11  }
0x278: {  	v13 =	vld.idx.msk [tilespmem:v8+s1+$0x0], $0xffff  }
0x279: {  	v14 =	vld.idx.msk [tilespmem:v9+s1+$0x0], $0xffff;
	[tilespmem:s29+$0xFFFFFFE0] =	vst v6;
	v6 =	vadd.f32 v7, v10  }
0x27a: {  	v7 =	vld.idx.msk [tilespmem:v8+s19+$0x0], $0xffff  }
0x27b: {  	v15 =	vld.idx.msk [tilespmem:v9+s19+$0x0], $0xffff;
	[tilespmem:s29+$0xFFFFFFF0] =	vst v6  }
0x27c: {  	v8 =	vld.idx.msk [tilespmem:v8+s20+$0x0], $0xffff  }
0x27d: {  	v16 =	vld.idx.msk [tilespmem:v9+s20+$0x0], $0xffff  }
0x27e: {  	v12 =	vld [tilespmem:s28+$0xFFFFFFC0]  }
0x27f: {  	v11 =	vld [tilespmem:s31+$0xFFFFFFD0]  }
0x280: {  	v10 =	vld [tilespmem:s28+$0xFFFFFFD0]  }
0x281: {  	v13 =	vsub.f32 v13, v14;
	v14 =	vsub.f32 v7, v15;
	v9 =	vld [tilespmem:s31+$0xFFFFFFE0]  }
0x282: {  	v6 =	vld [tilespmem:s28+$0xFFFFFFE0]  }
0x283: {  	v13 =	vmul.f32 v13, v13;
	v15 =	vsub.f32 v8, v16;
	v14 =	vmul.f32 v14, v14;
	v7 =	vld [tilespmem:s31+$0xFFFFFFF0]  }
0x284: {  	v8 =	vld [tilespmem:s28+$0xFFFFFFF0]  }
0x285: {  	v13 =	vadd.f32 v14, v13;
	v14 =	vmul.f32 v15, v15;
	v16 =	vld [tilespmem:s31+$0xFFFFFF90]  }
0x286: {  	v15 =	vld.idx.msk [tilespmem:v1+s1+$0x0], $0xffff  }
0x287: {  	v13 =	vadd.f32 v14, v13;
	v17 =	vld.idx.msk [tilespmem:v1+s19+$0x0], $0xffff  }
0x288: {  	s29 =	sadd.s32 $0x100, s29;
	v14 =	vld.idx.msk [tilespmem:v0+s1+$0x0], $0xffff  }
0x289: {  	v18 =	vld.idx.msk [tilespmem:v3+s1+$0x0], $0xffff;
	[tilespmem:s29+$0x0] =	vst v13  }
0x28a: {  	v13 =	vld.idx.msk [tilespmem:v0+s19+$0x0], $0xffff  }
0x28b: {  	v19 =	vld.idx.msk [tilespmem:v3+s19+$0x0], $0xffff  }
0x28c: {  	v20 =	vld.idx.msk [tilespmem:v2+s1+$0x0], $0xffff  }
0x28d: {  	v21 =	vld.idx.msk [tilespmem:v16+s1+$0x0], $0xffff  }
0x28e: {  	v22 =	vld.idx.msk [tilespmem:v16+s19+$0x0], $0xffff  }
0x28f: {  	v14 =	vsub.f32 v14, v18;
	v18 =	vld.idx.msk [tilespmem:v5+s1+$0x0], $0xffff  }
0x290: {  	v23 =	vld.idx.msk [tilespmem:v2+s19+$0x0], $0xffff  }
0x291: {  	v13 =	vsub.f32 v13, v19;
	v14 =	vmul.f32 v14, v14;
	v19 =	vld.idx.msk [tilespmem:v5+s19+$0x0], $0xffff  }
0x292: {  	v24 =	vld.idx.msk [tilespmem:v4+s1+$0x0], $0xffff  }
0x293: {  	v15 =	vsub.f32 v21, v15;
	v13 =	vmul.f32 v13, v13;
	v21 =	vld.idx.msk [tilespmem:v12+s1+$0x0], $0xffff  }
0x294: {  	v17 =	vsub.f32 v22, v17;
	v22 =	vld.idx.msk [tilespmem:v4+s19+$0x0], $0xffff  }
0x295: {  	v15 =	vmul.f32 v15, v15;
	v25 =	vadd.f32 v13, v14;
	v13 =	vsub.f32 v20, v18;
	v14 =	vld.idx.msk [tilespmem:v12+s19+$0x0], $0xffff  }
0x296: {  	v17 =	vmul.f32 v17, v17;
	v18 =	vld.idx.msk [tilespmem:v11+s1+$0x0], $0xffff  }
0x297: {  	v19 =	vsub.f32 v23, v19;
	v13 =	vmul.f32 v13, v13;
	v20 =	vld.idx.msk [tilespmem:v10+s1+$0x0], $0xffff  }
0x298: {  	v17 =	vadd.f32 v17, v15;
	v15 =	vld.idx.msk [tilespmem:v11+s19+$0x0], $0xffff  }
0x299: {  	v19 =	vmul.f32 v19, v19;
	v21 =	vsub.f32 v24, v21;
	v23 =	vld.idx.msk [tilespmem:v10+s19+$0x0], $0xffff  }
0x29a: {  	v24 =	vld.idx.msk [tilespmem:v9+s1+$0x0], $0xffff  }
0x29b: {  	v13 =	vadd.f32 v19, v13;
	v14 =	vsub.f32 v22, v14;
	v19 =	vmul.f32 v21, v21;
	v21 =	vld.idx.msk [tilespmem:v6+s1+$0x0], $0xffff  }
0x29c: {  	v22 =	vld.idx.msk [tilespmem:v9+s19+$0x0], $0xffff  }
0x29d: {  	v14 =	vmul.f32 v14, v14;
	v18 =	vsub.f32 v18, v20;
	v20 =	vld.idx.msk [tilespmem:v6+s19+$0x0], $0xffff  }
0x29e: {  	v26 =	vld.idx.msk [tilespmem:v7+s1+$0x0], $0xffff  }
0x29f: {  	v14 =	vadd.f32 v14, v19;
	v15 =	vsub.f32 v15, v23;
	v18 =	vmul.f32 v18, v18;
	v19 =	vld.idx.msk [tilespmem:v8+s1+$0x0], $0xffff  }
0x2a0: {  	v23 =	vld.idx.msk [tilespmem:v7+s19+$0x0], $0xffff  }
0x2a1: {  	v15 =	vmul.f32 v15, v15;
	v21 =	vsub.f32 v24, v21;
	v24 =	vld.idx.msk [tilespmem:v8+s19+$0x0], $0xffff  }
0x2a2: {  	v27 =	vld.idx.msk [tilespmem:v16+s20+$0x0], $0xffff  }
0x2a3: {  	v15 =	vadd.f32 v15, v18;
	v16 =	vsub.f32 v22, v20;
	v18 =	vmul.f32 v21, v21;
	v1 =	vld.idx.msk [tilespmem:v1+s20+$0x0], $0xffff  }
0x2a4: {  	v20 =	vld.idx.msk [tilespmem:v0+s20+$0x0], $0xffff  }
0x2a5: {  	v0 =	vmul.f32 v16, v16;
	v19 =	vsub.f32 v26, v19;
	v3 =	vld.idx.msk [tilespmem:v3+s20+$0x0], $0xffff  }
0x2a6: {  	v21 =	vld.idx.msk [tilespmem:v2+s20+$0x0], $0xffff  }
0x2a7: {  	v16 =	vadd.f32 v0, v18;
	v0 =	vsub.f32 v23, v24;
	v2 =	vmul.f32 v19, v19;
	v5 =	vld.idx.msk [tilespmem:v5+s20+$0x0], $0xffff  }
0x2a8: {  	v18 =	vld.idx.msk [tilespmem:v4+s20+$0x0], $0xffff  }
0x2a9: {  	v1 =	vsub.f32 v27, v1;
	v4 =	vmul.f32 v0, v0;
	v12 =	vld.idx.msk [tilespmem:v12+s20+$0x0], $0xffff  }
0x2aa: {  	v0 =	vld.idx.msk [tilespmem:v11+s20+$0x0], $0xffff  }
.Ltmp14:
0x2ab: {  	v11 =	vmul.f32 v1, v1;
	v3 =	vsub.f32 v20, v3;
	v1 =	vld.idx.msk [tilespmem:v10+s20+$0x0], $0xffff;
	v10 =	vadd.f32 v4, v2;
	(pc) =	sbr.rel @p0 .LBB2_30-.Ltmp14, $4  }
0x2ac: {  	v2 =	vld.idx.msk [tilespmem:v9+s20+$0x0], $0xffff  }
0x2ad: {  	v9 =	vadd.f32 v11, v17;
	v11 =	vmul.f32 v3, v3;
	v5 =	vsub.f32 v21, v5;
	v3 =	vld.idx.msk [tilespmem:v6+s20+$0x0], $0xffff  }
0x2ae: {  	v4 =	vld.idx.msk [tilespmem:v7+s20+$0x0], $0xffff  }
0x2af: {  	s31 =	sadd.s32 $0x100, s31;
	v6 =	vadd.f32 v11, v25;
	v7 =	vmul.f32 v5, v5;
	v11 =	vsub.f32 v18, v12;
	v5 =	vld.idx.msk [tilespmem:v8+s20+$0x0], $0xffff  }
0x2b0: {  	_ =	sdelay $0x1  }
0x2b1: {  	v0 =	vsub.f32 v0, v1  }
0x2b2: {  	v59 =	vmul.f32 v11, v11;
	v2 =	vsub.f32 v2, v3  }
0x2b3: {  	[tilespmem:s29+$0xFFFFFF90] =	vst v9;
	v60 =	vadd.f32 v7, v13;
	v0 =	vmul.f32 v0, v0;
	v4 =	vsub.f32 v4, v5  }
0x2b4: {  	[tilespmem:s29+$0xFFFFFFA0] =	vst v6;
	v1 =	vadd.f32 v59, v14;
	v2 =	vmul.f32 v2, v2  }
0x2b5: {  	[tilespmem:s29+$0xFFFFFFB0] =	vst v60;
	v0 =	vadd.f32 v0, v15;
	v61 =	vmul.f32 v4, v4  }
0x2b6: {  	[tilespmem:s29+$0xFFFFFFC0] =	vst v1;
	v62 =	vadd.f32 v2, v16  }
0x2b7: {  	[tilespmem:s29+$0xFFFFFFD0] =	vst v0;
	v63 =	vadd.f32 v61, v10  }
0x2b8: {  	s28 =	simm.s32 $0x14080;
	[tilespmem:s29+$0xFFFFFFE0] =	vst v62  }
0x2b9: {  	s31 =	sadd.s32 $0x0, s17;
	s30 =	simm.s32 $0x14180;
	[tilespmem:s29+$0xFFFFFFF0] =	vst v63;
	s29 =	simm.s32 $0x10  }
.LBB2_32:
0x2ba: {  	[hbm4b:s31+s1] =	stream.linear.scatter [tilespmem:s28], [sflag:$0x5], $0x80, $0x38;
	[tilespmem:$0x18000] =	vst v63  }
0x2bb: {  	s31 =	smov.u32 s29;
	s28 =	smov.u32 s30;
	p0 =	sne.s32 s29, $0x3F0  }
.Ltmp15:
0x2bc: {  	s29 =	sadd.s32 $0x10, s29;
	(pc) =	sbr.rel @p0 .LBB2_32-.Ltmp15, $2  }
0x2bd: {  	_ =	sdelay $0x2  }
0x2be: {  	s30 =	sadd.s32 $0x100, s30;
	s31 =	sadd.s32 s31, s17  }
0x2bf: {  	[hbm4b:s31+s1] =	stream.linear.scatter [tilespmem:s28], [sflag:$0x5], $0x80, $0x38;
	[tilespmem:$0x18000] =	vst v63  }
0x2c0: {  	s26 =	sadd.s32 $0x1, s26  }
0x2c1: {  	_ =	swait.ge [sflag:s24], $0x2000;
	p0 =	sne.s32 s26, s18  }
.Ltmp16:
0x2c2: {  	[sflag:s24] =	ssyncset.done $0x0;
	(pc) =	sbr.rel @p0 .LBB2_1-.Ltmp16, $4  }
0x2c3: {  	[sflag:s24] =	ssyncadd.s32 $0xFFFFE000  }
0x2c4: {  	_ =	swait.ge [sflag:s25], $0x2000  }
0x2c5: {  	[sflag:s25] =	ssyncset.done $0x0  }
0x2c6: {  	[sflag:s25] =	ssyncadd.s32 $0xFFFFE000  }
0x2c7: {  	_ =	sfence.sel $0x180000  }
0x2c8: {  	[bflag:$0x0] =	sbarrier.arrive $0xFFFF  }
0x2c9: {  	p0 =	sne.s32 s2, $0x0;
	_ =	strace $0x90000047  }
0x2ca: {  	s0 =	sadd.s32 @!p0 $0x100000, s0;
	[bflag:$0x2] =	sbarrier.arrive $0xFFFF  }
0x2cb: {  	[sflag:s0] =	ssyncadd.tile.s32 @!p0 $0x1;
	_ =	shalt  }
.Lfunc_end2:
_tile_overlayer_lowered:
.L_overlay_start_2:
0x2cc: {  	(tag) =	ssettag $0x2  }
0x2cd: {  	s0 =	rddreg [dreg:$0x0];
	s2 =	stileid.u32  }
0x2ce: {  	s1 =	rddreg [dreg:$0x1];
	p0 =	sne.s32 s2, $0x0  }
0x2cf: {  	s3 =	rddreg [dreg:$0x2];
	[bflag:$0x3] =	sbarrier.arrive $0xFFFF;
	s2 =	simm.s32 @!p0 $0x1C06  }
0x2d0: {  	[timem:s3], [sflag:s2] =	dma.local @!p0 [hbm:s0], s1  }
0x2d1: {  	s0 =	simm.s32 @!p0 $0x6  }
0x2d2: {  	_ =	swait.ge @!p0 [sflag:s0], s1  }
0x2d3: {  	s1 =	ssub.s32 @!p0 $0x0, s1;
	[sflag:s0] =	ssyncset.done @!p0 $0x0  }
0x2d4: {  	[sflag:s0] =	ssyncadd.s32 @!p0 s1  }
0x2d5: {  	[bflag:$0x3] =	sbarrier.arrive $0xFFFF  }
0x2d6: {  	_ =	shalt  }

</sc_bundles>
